<compile_context>
chip_gen: v7x
topology: tpu7x:2x2x1
jax: 0.10.2.dev20260603
libtpu: 0.0.44.dev20260713+nightly
codegen_flags: <defaults>
</compile_context>

<pallas_src>
import jax
import jax.numpy as jnp
from jax import lax
from jax.experimental import pallas as pl
from jax.experimental.pallas import tpu as pltpu
from jax.experimental.pallas import tpu_sc as plsc

T = 8192
D = 768
E = 64
F = 768

TM = 256
P = T + E * TM
NT = P // TM

RT = 512
RB = T // RT

NC = 2
NS = 16
NW = NC * NS
TPW = T // NW
CH = 128
NCH = TPW // CH
HD = D // 2


def _pack_rows(y):
    u = lax.bitcast_convert_type(y, jnp.uint32) + jnp.uint32(0x8000)
    lo = u[:, :HD] >> 16
    hi = u[:, HD:] & jnp.uint32(0xFFFF0000)
    return lax.bitcast_convert_type(lo | hi, jnp.int32)


def _unpack_rows(w):
    u = lax.bitcast_convert_type(w, jnp.uint32)
    lo = lax.bitcast_convert_type(u << 16, jnp.float32)
    hi = lax.bitcast_convert_type(u & jnp.uint32(0xFFFF0000), jnp.float32)
    return jnp.concatenate([lo, hi], axis=1)



def _router_body(x_ref, wg_ref, eidx_ref, gate_ref, rank_ref, counts_ref,
                 xbf_ref, cnt_scratch):
    i = pl.program_id(0)

    @pl.when(i == 0)
    def _init():
        cnt_scratch[...] = jnp.zeros((E, 1), jnp.float32)

    xb = x_ref[...]
    xbf_ref[...] = _pack_rows(xb)
    logits = lax.dot_general(wg_ref[...], xb, (((1,), (1,)), ((), ())),
                             preferred_element_type=jnp.float32)
    m = jnp.max(logits, axis=0, keepdims=True)
    s = jnp.sum(jnp.exp(logits - m), axis=0, keepdims=True)
    gate = 1.0 / s

    ii = lax.broadcasted_iota(jnp.int32, (E, RT), 0)
    eidx = jnp.min(jnp.where(logits == m, ii, E), axis=0, keepdims=True)
    oh = (ii == eidx).astype(jnp.float32)

    ri = lax.broadcasted_iota(jnp.int32, (RT, RT), 0)
    ci = lax.broadcasted_iota(jnp.int32, (RT, RT), 1)
    umat = (ri < ci).astype(jnp.float32)
    loc = jnp.dot(oh, umat, preferred_element_type=jnp.float32)

    rank = jnp.sum((loc + cnt_scratch[...]) * oh, axis=0)

    eidx_ref[0] = eidx.reshape(RT // 128, 128)
    gate_ref[0, 0, :] = gate[0]
    rank_ref[0] = rank.astype(jnp.int32).reshape(RT // 128, 128)

    cnt_scratch[...] = cnt_scratch[...] + jnp.sum(oh, axis=1, keepdims=True)
    counts_ref[...] = cnt_scratch[...]


def _router(x, wg):
    return pl.pallas_call(
        _router_body,
        grid=(RB,),
        in_specs=[
            pl.BlockSpec((RT, D), lambda i: (i, 0)),
            pl.BlockSpec((E, D), lambda i: (0, 0)),
        ],
        out_specs=[
            pl.BlockSpec((1, RT // 128, 128), lambda i: (i, 0, 0)),
            pl.BlockSpec((1, 1, RT), lambda i: (i, 0, 0)),
            pl.BlockSpec((1, RT // 128, 128), lambda i: (i, 0, 0)),
            pl.BlockSpec((E, 1), lambda i: (0, 0)),
            pl.BlockSpec((RT, HD), lambda i: (i, 0)),
        ],
        out_shape=[
            jax.ShapeDtypeStruct((RB, RT // 128, 128), jnp.int32),
            jax.ShapeDtypeStruct((RB, 1, RT), jnp.float32),
            jax.ShapeDtypeStruct((RB, RT // 128, 128), jnp.int32),
            jax.ShapeDtypeStruct((E, 1), jnp.float32),
            jax.ShapeDtypeStruct((T, HD), jnp.int32),
        ],
        scratch_shapes=[pltpu.VMEM((E, 1), jnp.float32)],
    )(x, wg)



def _dispatch_body(x_hbm, eidx_hbm, rank_hbm, ps_hbm,
                   xs_hbm, pos_hbm,
                   eidx_v, rank_v, pos_v, base_v, ps_v,
                   x_v0, x_v1,
                   sem_i, sem_x0, sem_x1, sem_sx0, sem_sx1, sem_p,
                   sem_e, sem_r):
    wid = lax.axis_index("s") * NC + lax.axis_index("c")
    base = wid * TPW

    xbuf = [x_v0, x_v1]
    sx = [sem_x0, sem_x1]
    ssx = [sem_sx0, sem_sx1]
    loads = [
        pltpu.async_copy(x_hbm.at[pl.ds(base + c * CH, CH)], xbuf[c], sx[c])
        for c in range(NCH)
    ]

    he = pltpu.async_copy(
        eidx_hbm.at[wid // 2, pl.ds((wid % 2) * 2, 2)], eidx_v, sem_e)
    hr = pltpu.async_copy(
        rank_hbm.at[wid // 2, pl.ds((wid % 2) * 2, 2)], rank_v, sem_r)
    pltpu.sync_copy(ps_hbm, ps_v)
    he.wait()
    gb = [pltpu.async_copy(ps_v.at[eidx_v.at[j]], base_v.at[j], sem_i)
          for j in range(2)]
    hr.wait()
    for h in gb:
        h.wait()
    for j in range(NCH):
        for k in range(CH // 16):
            sl = pl.ds(k * 16, 16)
            pos_v[j, sl] = base_v[j, sl] + rank_v[j, sl]
    hp = pltpu.async_copy(pos_v, pos_hbm.at[pl.ds(wid * NCH, NCH)], sem_p)

    scats = []
    for c in range(NCH):
        loads[c].wait()
        scats.append(pltpu.async_copy(xbuf[c], xs_hbm.at[pos_v.at[c]], ssx[c]))
    for h in scats:
        h.wait()
    hp.wait()


def _dispatch(xbf, eidx2, rank2, pad_start):
    mesh = plsc.VectorSubcoreMesh(core_axis_name="c", subcore_axis_name="s")
    f = pl.kernel(
        _dispatch_body,
        out_type=[
            jax.ShapeDtypeStruct((P, HD), jnp.int32),
            jax.ShapeDtypeStruct((T // CH, CH), jnp.int32),
        ],
        mesh=mesh,
        scratch_types=[
            pltpu.VMEM((2, 128), jnp.int32),
            pltpu.VMEM((2, 128), jnp.int32),
            pltpu.VMEM((NCH, CH), jnp.int32),
            pltpu.VMEM((2, 128), jnp.int32),
            pltpu.VMEM_SHARED((E,), jnp.int32),
            pltpu.VMEM((CH, HD), jnp.int32),
            pltpu.VMEM((CH, HD), jnp.int32),
            pltpu.SemaphoreType.DMA,
            pltpu.SemaphoreType.DMA,
            pltpu.SemaphoreType.DMA,
            pltpu.SemaphoreType.DMA,
            pltpu.SemaphoreType.DMA,
            pltpu.SemaphoreType.DMA,
            pltpu.SemaphoreType.DMA,
            pltpu.SemaphoreType.DMA,
        ],
    )
    return f(xbf, eidx2, rank2, pad_start)



def _ffn_body(gid_ref, valid_ref, rid_ref, xs_ref, w1_ref, b1_ref, w2_ref,
              b2_ref, ys_ref):
    i = pl.program_id(0)

    @pl.when(valid_ref[i] == 1)
    def _compute():
        xb = _unpack_rows(xs_ref[...])
        h = jnp.dot(xb, w1_ref[0], preferred_element_type=jnp.float32)
        h = jnp.maximum(h + b1_ref[0], 0.0)
        y = jnp.dot(h, w2_ref[0], preferred_element_type=jnp.float32)
        y = y + b2_ref[0]
        ys_ref[...] = _pack_rows(y)


def _ffn(tile_gid, tile_valid, tile_rid, xs, w1, b1r, w2, b2r):
    grid_spec = pltpu.PrefetchScalarGridSpec(
        num_scalar_prefetch=3,
        grid=(NT,),
        in_specs=[
            pl.BlockSpec((TM, HD), lambda i, g, v, r: (r[i], 0)),
            pl.BlockSpec((1, D, F), lambda i, g, v, r: (g[i], 0, 0)),
            pl.BlockSpec((1, 1, F), lambda i, g, v, r: (g[i], 0, 0)),
            pl.BlockSpec((1, F, D), lambda i, g, v, r: (g[i], 0, 0)),
            pl.BlockSpec((1, 1, D), lambda i, g, v, r: (g[i], 0, 0)),
        ],
        out_specs=pl.BlockSpec((TM, HD), lambda i, g, v, r: (r[i], 0)),
    )
    return pl.pallas_call(
        _ffn_body,
        grid_spec=grid_spec,
        out_shape=jax.ShapeDtypeStruct((P, HD), jnp.int32),
    )(tile_gid, tile_valid, tile_rid, xs, w1, b1r, w2, b2r)



def _combine_body(ys_hbm, pos_hbm, out_hbm, pos_v, r_v0, r_v1,
                  sem_g0, sem_g1, sem_w0, sem_w1):
    wid = lax.axis_index("s") * NC + lax.axis_index("c")
    base = wid * TPW
    pltpu.sync_copy(pos_hbm.at[pl.ds(wid * NCH, NCH)], pos_v)

    rb = [r_v0, r_v1]
    sgm = [sem_g0, sem_g1]
    swm = [sem_w0, sem_w1]

    g = [pltpu.async_copy(ys_hbm.at[pos_v.at[c]], rb[c], sgm[c])
         for c in range(NCH)]
    w = []
    for c in range(NCH):
        g[c].wait()
        w.append(pltpu.async_copy(rb[c], out_hbm.at[pl.ds(base + c * CH, CH)],
                                  swm[c]))
    for h in w:
        h.wait()


def _combine(ys, pos):
    mesh = plsc.VectorSubcoreMesh(core_axis_name="c", subcore_axis_name="s")
    f = pl.kernel(
        _combine_body,
        out_type=jax.ShapeDtypeStruct((T, HD), jnp.int32),
        mesh=mesh,
        scratch_types=[
            pltpu.VMEM((NCH, CH), jnp.int32),
            pltpu.VMEM((CH, HD), jnp.int32),
            pltpu.VMEM((CH, HD), jnp.int32),
            pltpu.SemaphoreType.DMA,
            pltpu.SemaphoreType.DMA,
            pltpu.SemaphoreType.DMA,
            pltpu.SemaphoreType.DMA,
        ],
    )
    return f(ys, pos)



def _scale_body(rows_ref, gate_ref, out_ref):
    g = gate_ref[0, 0, :].reshape(RT, 1)
    out_ref[...] = _unpack_rows(rows_ref[...]) * g


def _scale(rows, gate_col):
    return pl.pallas_call(
        _scale_body,
        grid=(RB,),
        in_specs=[
            pl.BlockSpec((RT, HD), lambda i: (i, 0)),
            pl.BlockSpec((1, 1, RT), lambda i: (i, 0, 0)),
        ],
        out_specs=pl.BlockSpec((RT, D), lambda i: (i, 0)),
        out_shape=jax.ShapeDtypeStruct((T, D), jnp.float32),
    )(rows, gate_col)



def kernel(x, Wg, W1, b1, W2, b2):
    eidx2, gate3, rank2, counts2, xbf = _router(x, Wg)
    counts = counts2[:, 0].astype(jnp.int32)

    ntiles_e = (counts + (TM - 1)) // TM
    tile_start = jnp.cumsum(ntiles_e) - ntiles_e
    pad_start = tile_start * TM
    used = jnp.sum(ntiles_e)
    tj = jnp.arange(NT, dtype=jnp.int32)
    gid = jnp.sum((tj[:, None] >= tile_start[None, :]).astype(jnp.int32),
                  axis=1) - 1
    last_e = jnp.max(jnp.where(counts > 0, jnp.arange(E, dtype=jnp.int32), 0))
    tile_gid = jnp.where(tj < used, gid, last_e).astype(jnp.int32)
    tile_valid = (tj < used).astype(jnp.int32)
    tile_rid = jnp.minimum(tj, used - 1).astype(jnp.int32)

    xs, pos = _dispatch(xbf, eidx2, rank2, pad_start)

    b1r = b1.reshape(E, 1, F)
    b2r = b2.reshape(E, 1, D)
    ys = _ffn(tile_gid, tile_valid, tile_rid, xs, W1, b1r, W2, b2r)

    rows = _combine(ys, pos)
    return _scale(rows, gate3)

# --- scband reference (transcript-rebuilt; emitter-appended) ---
"""Pipeline reference for scband-mo-e-2121713845018 (READ-ONLY COPY).

The authoritative reference and input builder live on the scoring server;
editing this copy changes nothing except your own understanding.
"""

import jax, jax.numpy as jnp
import numpy as np

T = 8192
D = 768
E = 64
F = 768

def setup_inputs(seed: int = 0) -> dict:
    key = jax.random.key(seed)
    k_x, k_g, k_w1, k_b1, k_w2, k_b2 = jax.random.split(key, 6)
    x = jax.random.normal(k_x, (T, D), dtype=jnp.float32)
    # gate weight, init N(0, 0.1) as in the torch module (nn.Linear stores [out, in])
    Wg = jax.random.normal(k_g, (E, D), dtype=jnp.float32) * 0.1
    # per-expert FFN params
    lim1 = 1.0 / np.sqrt(D)
    lim2 = 1.0 / np.sqrt(F)
    W1 = jax.random.uniform(k_w1, (E, D, F), dtype=jnp.float32, minval=-lim1, maxval=lim1)
    b1 = jax.random.uniform(k_b1, (E, F), dtype=jnp.float32, minval=-lim1, maxval=lim1)
    W2 = jax.random.uniform(k_w2, (E, F, D), dtype=jnp.float32, minval=-lim2, maxval=lim2)
    b2 = jax.random.uniform(k_b2, (E, D), dtype=jnp.float32, minval=-lim2, maxval=lim2)
    return {"x": x, "Wg": Wg, "W1": W1, "b1": b1, "W2": W2, "b2": b2}

def reference(x, Wg, W1, b1, W2, b2):
    # Switch-Transformer style top-1 routing (eval mode: no softplus noise).
    logits = x @ Wg.T                       # [T, E]
    probs = jax.nn.softmax(logits, axis=-1)
    eidx = jnp.argmax(probs, axis=-1)       # top-1 expert per token
    gate = jnp.take_along_axis(probs, eidx[:, None], axis=1)[:, 0]  # [T]
    out = jnp.zeros_like(x)
    num_experts = W1.shape[0]
    def body(e, out):
        mask = (eidx == e)                  # tokens routed to expert e
        he = jax.nn.relu(x @ W1[e] + b1[e])
        ye = he @ W2[e] + b2[e]
        return out + jnp.where(mask[:, None], gate[:, None] * ye, 0.0)
    out = jax.lax.fori_loop(0, num_experts, body, out)
    return out

if __name__ == "__main__":
    import jax
    _d = setup_inputs()
    print(jax.jit(kernel)(*tuple(_d.values())))

</pallas_src>

<mosaic_0001>
#map = affine_map<(d0, d1) -> (0, 0)>
#map1 = affine_map<(d0, d1) -> (0, 0, 0)>
#map2 = affine_map<(d0, d1) -> (0)>
module attributes {stable_mosaic.version = 14 : i64} {
  func.func @_dispatch_body(%arg0: i32, %arg1: i32, %arg2: memref<8192x384xi32, #tpu.memory_space<hbm>>, %arg3: memref<16x4x128xi32, #tpu.memory_space<hbm>>, %arg4: memref<16x4x128xi32, #tpu.memory_space<hbm>>, %arg5: memref<64xi32, #tpu.memory_space<hbm>>, %arg6: memref<24576x384xi32, #tpu.memory_space<hbm>>, %arg7: memref<64x128xi32, #tpu.memory_space<hbm>>, %arg8: memref<2x128xi32, #tpu.memory_space<vmem>>, %arg9: memref<2x128xi32, #tpu.memory_space<vmem>>, %arg10: memref<2x128xi32, #tpu.memory_space<vmem>>, %arg11: memref<2x128xi32, #tpu.memory_space<vmem>>, %arg12: memref<64xi32, #tpu.memory_space<vmem_shared>>, %arg13: memref<128x384xi32, #tpu.memory_space<vmem>>, %arg14: memref<128x384xi32, #tpu.memory_space<vmem>>, %arg15: memref<!tpu.dma_semaphore, #tpu.memory_space<semaphore_mem>>, %arg16: memref<!tpu.dma_semaphore, #tpu.memory_space<semaphore_mem>>, %arg17: memref<!tpu.dma_semaphore, #tpu.memory_space<semaphore_mem>>, %arg18: memref<!tpu.dma_semaphore, #tpu.memory_space<semaphore_mem>>, %arg19: memref<!tpu.dma_semaphore, #tpu.memory_space<semaphore_mem>>, %arg20: memref<!tpu.dma_semaphore, #tpu.memory_space<semaphore_mem>>, %arg21: memref<!tpu.dma_semaphore, #tpu.memory_space<semaphore_mem>>, %arg22: memref<!tpu.dma_semaphore, #tpu.memory_space<semaphore_mem>>) attributes {dimension_semantics = [#tpu.dimension_semantics<core_parallel>, #tpu.dimension_semantics<subcore_parallel>], iteration_bounds = array<i64: 2, 16>, scalar_prefetch = 0 : i64, scratch_operands = 15 : i64, tpu.core_type = #tpu.core_type<sc_vector_subcore>, window_params = [{transform_indices = #map}, {transform_indices = #map1}, {transform_indices = #map1}, {transform_indices = #map2}, {transform_indices = #map}, {transform_indices = #map}]} {
    %mul3A = arith.constant 2 : i32
    %mul3A_0 = arith.muli %arg1, %mul3A : i32
    %add3A = arith.addi %mul3A_0, %arg0 : i32
    %mul3A_1 = arith.constant 256 : i32
    %mul3A_2 = arith.muli %add3A, %mul3A_1 : i32
    %add3A_3 = arith.constant 0 : i32
    %add3A_4 = arith.addi %mul3A_2, %add3A_3 : i32
    %dma_start3A = arith.constant 0 : i32
    %dma_start3A_5 = tpu.memref_slice %arg2[%add3A_4, %dma_start3A] : memref<8192x384xi32, #tpu.memory_space<hbm>> -> memref<128x384xi32, #tpu.memory_space<hbm>>
    %dma_start3A_6 = arith.constant 0 : i32
    %dma_start3A_7 = tpu.memref_slice %arg2[%add3A_4, %dma_start3A_6] : memref<8192x384xi32, #tpu.memory_space<hbm>> -> memref<128x384xi32, #tpu.memory_space<hbm>>
    tpu.enqueue_dma source(%dma_start3A_7 : memref<128x384xi32, #tpu.memory_space<hbm>>) target(%arg13 : memref<128x384xi32, #tpu.memory_space<vmem>>) target_semaphore(%arg16 : memref<!tpu.dma_semaphore, #tpu.memory_space<semaphore_mem>>)
    %add3A_8 = arith.constant 128 : i32
    %add3A_9 = arith.addi %mul3A_2, %add3A_8 : i32
    %dma_start3A_10 = arith.constant 0 : i32
    %dma_start3A_11 = tpu.memref_slice %arg2[%add3A_9, %dma_start3A_10] : memref<8192x384xi32, #tpu.memory_space<hbm>> -> memref<128x384xi32, #tpu.memory_space<hbm>>
    %dma_start3A_12 = arith.constant 0 : i32
    %dma_start3A_13 = tpu.memref_slice %arg2[%add3A_9, %dma_start3A_12] : memref<8192x384xi32, #tpu.memory_space<hbm>> -> memref<128x384xi32, #tpu.memory_space<hbm>>
    tpu.enqueue_dma source(%dma_start3A_13 : memref<128x384xi32, #tpu.memory_space<hbm>>) target(%arg14 : memref<128x384xi32, #tpu.memory_space<vmem>>) target_semaphore(%arg17 : memref<!tpu.dma_semaphore, #tpu.memory_space<semaphore_mem>>)
    %jit3A = arith.constant 2 : i32
    %div3A = arith.divsi %add3A, %jit3A : i32
    %sign3A = arith.constant 0 : i32
    %sign3A_14 = arith.cmpi sgt, %add3A, %sign3A : i32
    %sign3A_15 = arith.extui %sign3A_14 : i1 to i32
    %sign3A_16 = arith.constant 0 : i32
    %sign3A_17 = arith.cmpi slt, %add3A, %sign3A_16 : i32
    %sign3A_18 = arith.extui %sign3A_17 : i1 to i32
    %sign3A_19 = arith.subi %sign3A_15, %sign3A_18 : i32
    %sign3A_20 = arith.constant 0 : i32
    %sign3A_21 = arith.cmpi sgt, %jit3A, %sign3A_20 : i32
    %sign3A_22 = arith.extui %sign3A_21 : i1 to i32
    %sign3A_23 = arith.constant 0 : i32
    %sign3A_24 = arith.cmpi slt, %jit3A, %sign3A_23 : i32
    %sign3A_25 = arith.extui %sign3A_24 : i1 to i32
    %sign3A_26 = arith.subi %sign3A_22, %sign3A_25 : i32
    %ne3A = arith.cmpi ne, %sign3A_19, %sign3A_26 : i32
    %rem3A = arith.remsi %add3A, %jit3A : i32
    %ne3A_27 = arith.constant 0 : i32
    %ne3A_28 = arith.cmpi ne, %rem3A, %ne3A_27 : i32
    %and3A = arith.andi %ne3A, %ne3A_28 : i1
    %sub3A = arith.constant 1 : i32
    %sub3A_29 = arith.subi %div3A, %sub3A : i32
    %select_n3A = arith.select %and3A, %sub3A_29, %div3A : i32
    %jit3A_30 = arith.constant 2 : i32
    %eq3A = arith.constant 0 : i32
    %eq3A_31 = arith.cmpi eq, %jit3A_30, %eq3A : i32
    %jit3A_32 = arith.constant 1 : i32
    %select_n3A_33 = arith.select %eq3A_31, %jit3A_32, %jit3A_30 : i32
    %rem3A_34 = arith.remsi %add3A, %select_n3A_33 : i32
    %ne3A_35 = arith.constant 0 : i32
    %ne3A_36 = arith.cmpi ne, %rem3A_34, %ne3A_35 : i32
    %lt3A = arith.constant 0 : i32
    %lt3A_37 = arith.cmpi slt, %rem3A_34, %lt3A : i32
    %lt3A_38 = arith.constant 0 : i32
    %lt3A_39 = arith.cmpi slt, %select_n3A_33, %lt3A_38 : i32
    %ne3A_40 = arith.xori %lt3A_37, %lt3A_39 : i1
    %and3A_41 = arith.andi %ne3A_40, %ne3A_36 : i1
    %add3A_42 = arith.addi %rem3A_34, %select_n3A_33 : i32
    %select_n3A_43 = arith.select %and3A_41, %add3A_42, %rem3A_34 : i32
    %mul3A_44 = arith.constant 2 : i32
    %mul3A_45 = arith.muli %select_n3A_43, %mul3A_44 : i32
    %dma_start3A_46 = arith.constant 0 : i32
    %dma_start3A_47 = tpu.memref_slice %arg3[%select_n3A, %mul3A_45, %dma_start3A_46] : memref<16x4x128xi32, #tpu.memory_space<hbm>> -> memref<1x2x128xi32, #tpu.memory_space<hbm>>
    %dma_start3A_48 = tpu.memref_squeeze %dma_start3A_47 : memref<1x2x128xi32, #tpu.memory_space<hbm>> -> memref<2x128xi32, #tpu.memory_space<hbm>>
    %dma_start3A_49 = arith.constant 0 : i32
    %dma_start3A_50 = tpu.memref_slice %arg3[%select_n3A, %mul3A_45, %dma_start3A_49] : memref<16x4x128xi32, #tpu.memory_space<hbm>> -> memref<1x2x128xi32, #tpu.memory_space<hbm>>
    %dma_start3A_51 = tpu.memref_squeeze %dma_start3A_50 : memref<1x2x128xi32, #tpu.memory_space<hbm>> -> memref<2x128xi32, #tpu.memory_space<hbm>>
    tpu.enqueue_dma source(%dma_start3A_51 : memref<2x128xi32, #tpu.memory_space<hbm>>) target(%arg8 : memref<2x128xi32, #tpu.memory_space<vmem>>) target_semaphore(%arg21 : memref<!tpu.dma_semaphore, #tpu.memory_space<semaphore_mem>>)
    %jit3A_52 = arith.constant 2 : i32
    %div3A_53 = arith.divsi %add3A, %jit3A_52 : i32
    %sign3A_54 = arith.constant 0 : i32
    %sign3A_55 = arith.cmpi sgt, %add3A, %sign3A_54 : i32
    %sign3A_56 = arith.extui %sign3A_55 : i1 to i32
    %sign3A_57 = arith.constant 0 : i32
    %sign3A_58 = arith.cmpi slt, %add3A, %sign3A_57 : i32
    %sign3A_59 = arith.extui %sign3A_58 : i1 to i32
    %sign3A_60 = arith.subi %sign3A_56, %sign3A_59 : i32
    %sign3A_61 = arith.constant 0 : i32
    %sign3A_62 = arith.cmpi sgt, %jit3A_52, %sign3A_61 : i32
    %sign3A_63 = arith.extui %sign3A_62 : i1 to i32
    %sign3A_64 = arith.constant 0 : i32
    %sign3A_65 = arith.cmpi slt, %jit3A_52, %sign3A_64 : i32
    %sign3A_66 = arith.extui %sign3A_65 : i1 to i32
    %sign3A_67 = arith.subi %sign3A_63, %sign3A_66 : i32
    %ne3A_68 = arith.cmpi ne, %sign3A_60, %sign3A_67 : i32
    %rem3A_69 = arith.remsi %add3A, %jit3A_52 : i32
    %ne3A_70 = arith.constant 0 : i32
    %ne3A_71 = arith.cmpi ne, %rem3A_69, %ne3A_70 : i32
    %and3A_72 = arith.andi %ne3A_68, %ne3A_71 : i1
    %sub3A_73 = arith.constant 1 : i32
    %sub3A_74 = arith.subi %div3A_53, %sub3A_73 : i32
    %select_n3A_75 = arith.select %and3A_72, %sub3A_74, %div3A_53 : i32
    %jit3A_76 = arith.constant 2 : i32
    %eq3A_77 = arith.constant 0 : i32
    %eq3A_78 = arith.cmpi eq, %jit3A_76, %eq3A_77 : i32
    %jit3A_79 = arith.constant 1 : i32
    %select_n3A_80 = arith.select %eq3A_78, %jit3A_79, %jit3A_76 : i32
    %rem3A_81 = arith.remsi %add3A, %select_n3A_80 : i32
    %ne3A_82 = arith.constant 0 : i32
    %ne3A_83 = arith.cmpi ne, %rem3A_81, %ne3A_82 : i32
    %lt3A_84 = arith.constant 0 : i32
    %lt3A_85 = arith.cmpi slt, %rem3A_81, %lt3A_84 : i32
    %lt3A_86 = arith.constant 0 : i32
    %lt3A_87 = arith.cmpi slt, %select_n3A_80, %lt3A_86 : i32
    %ne3A_88 = arith.xori %lt3A_85, %lt3A_87 : i1
    %and3A_89 = arith.andi %ne3A_88, %ne3A_83 : i1
    %add3A_90 = arith.addi %rem3A_81, %select_n3A_80 : i32
    %select_n3A_91 = arith.select %and3A_89, %add3A_90, %rem3A_81 : i32
    %mul3A_92 = arith.constant 2 : i32
    %mul3A_93 = arith.muli %select_n3A_91, %mul3A_92 : i32
    %dma_start3A_94 = arith.constant 0 : i32
    %dma_start3A_95 = tpu.memref_slice %arg4[%select_n3A_75, %mul3A_93, %dma_start3A_94] : memref<16x4x128xi32, #tpu.memory_space<hbm>> -> memref<1x2x128xi32, #tpu.memory_space<hbm>>
    %dma_start3A_96 = tpu.memref_squeeze %dma_start3A_95 : memref<1x2x128xi32, #tpu.memory_space<hbm>> -> memref<2x128xi32, #tpu.memory_space<hbm>>
    %dma_start3A_97 = arith.constant 0 : i32
    %dma_start3A_98 = tpu.memref_slice %arg4[%select_n3A_75, %mul3A_93, %dma_start3A_97] : memref<16x4x128xi32, #tpu.memory_space<hbm>> -> memref<1x2x128xi32, #tpu.memory_space<hbm>>
    %dma_start3A_99 = tpu.memref_squeeze %dma_start3A_98 : memref<1x2x128xi32, #tpu.memory_space<hbm>> -> memref<2x128xi32, #tpu.memory_space<hbm>>
    tpu.enqueue_dma source(%dma_start3A_99 : memref<2x128xi32, #tpu.memory_space<hbm>>) target(%arg9 : memref<2x128xi32, #tpu.memory_space<vmem>>) target_semaphore(%arg22 : memref<!tpu.dma_semaphore, #tpu.memory_space<semaphore_mem>>)
    "tpu.region"() ({
      %run_scoped3A = tpu.sem_alloc : memref<!tpu.dma_semaphore, #tpu.memory_space<semaphore_mem>>
      tpu.enqueue_dma source(%arg5 : memref<64xi32, #tpu.memory_space<hbm>>) target(%arg12 : memref<64xi32, #tpu.memory_space<vmem_shared>>) target_semaphore(%run_scoped3A : memref<!tpu.dma_semaphore, #tpu.memory_space<semaphore_mem>>)
      tpu.wait_dma2 semaphore(%run_scoped3A : memref<!tpu.dma_semaphore, #tpu.memory_space<semaphore_mem>>) src(%arg5 : memref<64xi32, #tpu.memory_space<hbm>>) dst(%arg12 : memref<64xi32, #tpu.memory_space<vmem_shared>>)
      tpu.yield
    }) : () -> ()
    %dma_wait3A = arith.constant 0 : i32
    %dma_wait3A_100 = tpu.memref_slice %arg3[%select_n3A, %mul3A_45, %dma_wait3A] : memref<16x4x128xi32, #tpu.memory_space<hbm>> -> memref<1x2x128xi32, #tpu.memory_space<hbm>>
    %dma_wait3A_101 = tpu.memref_squeeze %dma_wait3A_100 : memref<1x2x128xi32, #tpu.memory_space<hbm>> -> memref<2x128xi32, #tpu.memory_space<hbm>>
    %dma_wait3A_102 = arith.constant 0 : i32
    %dma_wait3A_103 = tpu.memref_slice %arg3[%select_n3A, %mul3A_45, %dma_wait3A_102] : memref<16x4x128xi32, #tpu.memory_space<hbm>> -> memref<1x2x128xi32, #tpu.memory_space<hbm>>
    %dma_wait3A_104 = tpu.memref_squeeze %dma_wait3A_103 : memref<1x2x128xi32, #tpu.memory_space<hbm>> -> memref<2x128xi32, #tpu.memory_space<hbm>>
    tpu.wait_dma2 semaphore(%arg21 : memref<!tpu.dma_semaphore, #tpu.memory_space<semaphore_mem>>) src(%dma_wait3A_104 : memref<2x128xi32, #tpu.memory_space<hbm>>) dst(%arg8 : memref<2x128xi32, #tpu.memory_space<vmem>>)
    %dma_start3A_105 = arith.constant 0 : i32
    %dma_start3A_106 = arith.constant 0 : i32
    %dma_start3A_107 = arith.constant 0 : i32
    %dma_start3A_108 = tpu.memref_slice %arg11[%dma_start3A_106, %dma_start3A_107] : memref<2x128xi32, #tpu.memory_space<vmem>> -> memref<1x128xi32, #tpu.memory_space<vmem>>
    %dma_start3A_109 = tpu.memref_squeeze %dma_start3A_108 : memref<1x128xi32, #tpu.memory_space<vmem>> -> memref<128xi32, #tpu.memory_space<vmem>>
    %dma_start3A_110 = arith.constant 0 : i32
    %dma_start3A_111 = tpu.memref_slice %arg8[%dma_start3A_105, %dma_start3A_110] : memref<2x128xi32, #tpu.memory_space<vmem>> -> memref<1x128xi32, #tpu.memory_space<vmem>>
    %dma_start3A_112 = tpu.memref_squeeze %dma_start3A_111 : memref<1x128xi32, #tpu.memory_space<vmem>> -> memref<128xi32, #tpu.memory_space<vmem>>
    %dma_start3A_113 = arith.constant 0 : i32
    %dma_start3A_114 = tpu.memref_slice %arg12[%dma_start3A_113] : memref<64xi32, #tpu.memory_space<vmem_shared>> -> memref<64xi32, #tpu.memory_space<vmem_shared>>
    tpu.enqueue_indirect_dma source(%dma_start3A_114 : memref<64xi32, #tpu.memory_space<vmem_shared>>) target(%dma_start3A_109 : memref<128xi32, #tpu.memory_space<vmem>>) offsets(%dma_start3A_112 : memref<128xi32, #tpu.memory_space<vmem>>) semaphore(%arg15 : memref<!tpu.dma_semaphore, #tpu.memory_space<semaphore_mem>>)
    %dma_start3A_115 = arith.constant 1 : i32
    %dma_start3A_116 = arith.constant 1 : i32
    %dma_start3A_117 = arith.constant 0 : i32
    %dma_start3A_118 = tpu.memref_slice %arg11[%dma_start3A_116, %dma_start3A_117] : memref<2x128xi32, #tpu.memory_space<vmem>> -> memref<1x128xi32, #tpu.memory_space<vmem>>
    %dma_start3A_119 = tpu.memref_squeeze %dma_start3A_118 : memref<1x128xi32, #tpu.memory_space<vmem>> -> memref<128xi32, #tpu.memory_space<vmem>>
    %dma_start3A_120 = arith.constant 0 : i32
    %dma_start3A_121 = tpu.memref_slice %arg8[%dma_start3A_115, %dma_start3A_120] : memref<2x128xi32, #tpu.memory_space<vmem>> -> memref<1x128xi32, #tpu.memory_space<vmem>>
    %dma_start3A_122 = tpu.memref_squeeze %dma_start3A_121 : memref<1x128xi32, #tpu.memory_space<vmem>> -> memref<128xi32, #tpu.memory_space<vmem>>
    %dma_start3A_123 = arith.constant 0 : i32
    %dma_start3A_124 = tpu.memref_slice %arg12[%dma_start3A_123] : memref<64xi32, #tpu.memory_space<vmem_shared>> -> memref<64xi32, #tpu.memory_space<vmem_shared>>
    tpu.enqueue_indirect_dma source(%dma_start3A_124 : memref<64xi32, #tpu.memory_space<vmem_shared>>) target(%dma_start3A_119 : memref<128xi32, #tpu.memory_space<vmem>>) offsets(%dma_start3A_122 : memref<128xi32, #tpu.memory_space<vmem>>) semaphore(%arg15 : memref<!tpu.dma_semaphore, #tpu.memory_space<semaphore_mem>>)
    %dma_wait3A_125 = arith.constant 0 : i32
    %dma_wait3A_126 = tpu.memref_slice %arg4[%select_n3A_75, %mul3A_93, %dma_wait3A_125] : memref<16x4x128xi32, #tpu.memory_space<hbm>> -> memref<1x2x128xi32, #tpu.memory_space<hbm>>
    %dma_wait3A_127 = tpu.memref_squeeze %dma_wait3A_126 : memref<1x2x128xi32, #tpu.memory_space<hbm>> -> memref<2x128xi32, #tpu.memory_space<hbm>>
    %dma_wait3A_128 = arith.constant 0 : i32
    %dma_wait3A_129 = tpu.memref_slice %arg4[%select_n3A_75, %mul3A_93, %dma_wait3A_128] : memref<16x4x128xi32, #tpu.memory_space<hbm>> -> memref<1x2x128xi32, #tpu.memory_space<hbm>>
    %dma_wait3A_130 = tpu.memref_squeeze %dma_wait3A_129 : memref<1x2x128xi32, #tpu.memory_space<hbm>> -> memref<2x128xi32, #tpu.memory_space<hbm>>
    tpu.wait_dma2 semaphore(%arg22 : memref<!tpu.dma_semaphore, #tpu.memory_space<semaphore_mem>>) src(%dma_wait3A_130 : memref<2x128xi32, #tpu.memory_space<hbm>>) dst(%arg9 : memref<2x128xi32, #tpu.memory_space<vmem>>)
    %dma_wait3A_131 = arith.constant 0 : i32
    %dma_wait3A_132 = arith.constant 0 : i32
    %dma_wait3A_133 = arith.constant 0 : i32
    %dma_wait3A_134 = tpu.memref_slice %arg11[%dma_wait3A_132, %dma_wait3A_133] : memref<2x128xi32, #tpu.memory_space<vmem>> -> memref<1x128xi32, #tpu.memory_space<vmem>>
    %dma_wait3A_135 = tpu.memref_squeeze %dma_wait3A_134 : memref<1x128xi32, #tpu.memory_space<vmem>> -> memref<128xi32, #tpu.memory_space<vmem>>
    %dma_wait3A_136 = arith.constant 0 : i32
    %dma_wait3A_137 = tpu.memref_slice %arg8[%dma_wait3A_131, %dma_wait3A_136] : memref<2x128xi32, #tpu.memory_space<vmem>> -> memref<1x128xi32, #tpu.memory_space<vmem>>
    %dma_wait3A_138 = tpu.memref_squeeze %dma_wait3A_137 : memref<1x128xi32, #tpu.memory_space<vmem>> -> memref<128xi32, #tpu.memory_space<vmem>>
    %dma_wait3A_139 = arith.constant 0 : i32
    %dma_wait3A_140 = tpu.memref_slice %arg12[%dma_wait3A_139] : memref<64xi32, #tpu.memory_space<vmem_shared>> -> memref<64xi32, #tpu.memory_space<vmem_shared>>
    tpu.wait_indirect_dma semaphore(%arg15 : memref<!tpu.dma_semaphore, #tpu.memory_space<semaphore_mem>>) src(%dma_wait3A_140 : memref<64xi32, #tpu.memory_space<vmem_shared>>) dst(%dma_wait3A_135 : memref<128xi32, #tpu.memory_space<vmem>>)
    %dma_wait3A_141 = arith.constant 1 : i32
    %dma_wait3A_142 = arith.constant 1 : i32
    %dma_wait3A_143 = arith.constant 0 : i32
    %dma_wait3A_144 = tpu.memref_slice %arg11[%dma_wait3A_142, %dma_wait3A_143] : memref<2x128xi32, #tpu.memory_space<vmem>> -> memref<1x128xi32, #tpu.memory_space<vmem>>
    %dma_wait3A_145 = tpu.memref_squeeze %dma_wait3A_144 : memref<1x128xi32, #tpu.memory_space<vmem>> -> memref<128xi32, #tpu.memory_space<vmem>>
    %dma_wait3A_146 = arith.constant 0 : i32
    %dma_wait3A_147 = tpu.memref_slice %arg8[%dma_wait3A_141, %dma_wait3A_146] : memref<2x128xi32, #tpu.memory_space<vmem>> -> memref<1x128xi32, #tpu.memory_space<vmem>>
    %dma_wait3A_148 = tpu.memref_squeeze %dma_wait3A_147 : memref<1x128xi32, #tpu.memory_space<vmem>> -> memref<128xi32, #tpu.memory_space<vmem>>
    %dma_wait3A_149 = arith.constant 0 : i32
    %dma_wait3A_150 = tpu.memref_slice %arg12[%dma_wait3A_149] : memref<64xi32, #tpu.memory_space<vmem_shared>> -> memref<64xi32, #tpu.memory_space<vmem_shared>>
    tpu.wait_indirect_dma semaphore(%arg15 : memref<!tpu.dma_semaphore, #tpu.memory_space<semaphore_mem>>) src(%dma_wait3A_150 : memref<64xi32, #tpu.memory_space<vmem_shared>>) dst(%dma_wait3A_145 : memref<128xi32, #tpu.memory_space<vmem>>)
    %get3A = arith.constant 0 : i32
    %get3A_151 = arith.index_cast %get3A : i32 to index
    %get3A_152 = arith.constant 0 : index
    %get3A_153 = tpu.vector_load %arg11[%get3A_151, %get3A_152] {strides = array<i32>} : memref<2x128xi32, #tpu.memory_space<vmem>>, vector<1x16xi32>,
    %get3A_154 = vector.shape_cast %get3A_153 : vector<1x16xi32> to vector<16xi32>
    %get3A_155 = arith.constant 0 : i32
    %get3A_156 = arith.index_cast %get3A_155 : i32 to index
    %get3A_157 = arith.constant 0 : index
    %get3A_158 = tpu.vector_load %arg9[%get3A_156, %get3A_157] {strides = array<i32>} : memref<2x128xi32, #tpu.memory_space<vmem>>, vector<1x16xi32>,
    %get3A_159 = vector.shape_cast %get3A_158 : vector<1x16xi32> to vector<16xi32>
    %add3A_160 = arith.addi %get3A_154, %get3A_159 : vector<16xi32>
    %swap3A = arith.constant 0 : i32
    %swap3A_161 = arith.index_cast %swap3A : i32 to index
    %swap3A_162 = arith.constant 0 : index
    %swap3A_163 = tpu.vector_load %arg10[%swap3A_161, %swap3A_162] {strides = array<i32>} : memref<2x128xi32, #tpu.memory_space<vmem>>, vector<1x16xi32>,
    %swap3A_164 = vector.shape_cast %swap3A_163 : vector<1x16xi32> to vector<16xi32>
    %swap3A_165 = vector.shape_cast %add3A_160 : vector<16xi32> to vector<1x16xi32>
    tpu.vector_store %arg10[%swap3A_161, %swap3A_162], %swap3A_165 {strides = array<i32>} : memref<2x128xi32, #tpu.memory_space<vmem>>, vector<1x16xi32>,
    %get3A_166 = arith.constant 0 : i32
    %get3A_167 = arith.index_cast %get3A_166 : i32 to index
    %get3A_168 = arith.constant 16 : index
    %get3A_169 = tpu.vector_load %arg11[%get3A_167, %get3A_168] {strides = array<i32>} : memref<2x128xi32, #tpu.memory_space<vmem>>, vector<1x16xi32>,
    %get3A_170 = vector.shape_cast %get3A_169 : vector<1x16xi32> to vector<16xi32>
    %get3A_171 = arith.constant 0 : i32
    %get3A_172 = arith.index_cast %get3A_171 : i32 to index
    %get3A_173 = arith.constant 16 : index
    %get3A_174 = tpu.vector_load %arg9[%get3A_172, %get3A_173] {strides = array<i32>} : memref<2x128xi32, #tpu.memory_space<vmem>>, vector<1x16xi32>,
    %get3A_175 = vector.shape_cast %get3A_174 : vector<1x16xi32> to vector<16xi32>
    %add3A_176 = arith.addi %get3A_170, %get3A_175 : vector<16xi32>
    %swap3A_177 = arith.constant 0 : i32
    %swap3A_178 = arith.index_cast %swap3A_177 : i32 to index
    %swap3A_179 = arith.constant 16 : index
    %swap3A_180 = tpu.vector_load %arg10[%swap3A_178, %swap3A_179] {strides = array<i32>} : memref<2x128xi32, #tpu.memory_space<vmem>>, vector<1x16xi32>,
    %swap3A_181 = vector.shape_cast %swap3A_180 : vector<1x16xi32> to vector<16xi32>
    %swap3A_182 = vector.shape_cast %add3A_176 : vector<16xi32> to vector<1x16xi32>
    tpu.vector_store %arg10[%swap3A_178, %swap3A_179], %swap3A_182 {strides = array<i32>} : memref<2x128xi32, #tpu.memory_space<vmem>>, vector<1x16xi32>,
    %get3A_183 = arith.constant 0 : i32
    %get3A_184 = arith.index_cast %get3A_183 : i32 to index
    %get3A_185 = arith.constant 32 : index
    %get3A_186 = tpu.vector_load %arg11[%get3A_184, %get3A_185] {strides = array<i32>} : memref<2x128xi32, #tpu.memory_space<vmem>>, vector<1x16xi32>,
    %get3A_187 = vector.shape_cast %get3A_186 : vector<1x16xi32> to vector<16xi32>
    %get3A_188 = arith.constant 0 : i32
    %get3A_189 = arith.index_cast %get3A_188 : i32 to index
    %get3A_190 = arith.constant 32 : index
    %get3A_191 = tpu.vector_load %arg9[%get3A_189, %get3A_190] {strides = array<i32>} : memref<2x128xi32, #tpu.memory_space<vmem>>, vector<1x16xi32>,
    %get3A_192 = vector.shape_cast %get3A_191 : vector<1x16xi32> to vector<16xi32>
    %add3A_193 = arith.addi %get3A_187, %get3A_192 : vector<16xi32>
    %swap3A_194 = arith.constant 0 : i32
    %swap3A_195 = arith.index_cast %swap3A_194 : i32 to index
    %swap3A_196 = arith.constant 32 : index
    %swap3A_197 = tpu.vector_load %arg10[%swap3A_195, %swap3A_196] {strides = array<i32>} : memref<2x128xi32, #tpu.memory_space<vmem>>, vector<1x16xi32>,
    %swap3A_198 = vector.shape_cast %swap3A_197 : vector<1x16xi32> to vector<16xi32>
    %swap3A_199 = vector.shape_cast %add3A_193 : vector<16xi32> to vector<1x16xi32>
    tpu.vector_store %arg10[%swap3A_195, %swap3A_196], %swap3A_199 {strides = array<i32>} : memref<2x128xi32, #tpu.memory_space<vmem>>, vector<1x16xi32>,
    %get3A_200 = arith.constant 0 : i32
    %get3A_201 = arith.index_cast %get3A_200 : i32 to index
    %get3A_202 = arith.constant 48 : index
    %get3A_203 = tpu.vector_load %arg11[%get3A_201, %get3A_202] {strides = array<i32>} : memref<2x128xi32, #tpu.memory_space<vmem>>, vector<1x16xi32>,
    %get3A_204 = vector.shape_cast %get3A_203 : vector<1x16xi32> to vector<16xi32>
    %get3A_205 = arith.constant 0 : i32
    %get3A_206 = arith.index_cast %get3A_205 : i32 to index
    %get3A_207 = arith.constant 48 : index
    %get3A_208 = tpu.vector_load %arg9[%get3A_206, %get3A_207] {strides = array<i32>} : memref<2x128xi32, #tpu.memory_space<vmem>>, vector<1x16xi32>,
    %get3A_209 = vector.shape_cast %get3A_208 : vector<1x16xi32> to vector<16xi32>
    %add3A_210 = arith.addi %get3A_204, %get3A_209 : vector<16xi32>
    %swap3A_211 = arith.constant 0 : i32
    %swap3A_212 = arith.index_cast %swap3A_211 : i32 to index
    %swap3A_213 = arith.constant 48 : index
    %swap3A_214 = tpu.vector_load %arg10[%swap3A_212, %swap3A_213] {strides = array<i32>} : memref<2x128xi32, #tpu.memory_space<vmem>>, vector<1x16xi32>,
    %swap3A_215 = vector.shape_cast %swap3A_214 : vector<1x16xi32> to vector<16xi32>
    %swap3A_216 = vector.shape_cast %add3A_210 : vector<16xi32> to vector<1x16xi32>
    tpu.vector_store %arg10[%swap3A_212, %swap3A_213], %swap3A_216 {strides = array<i32>} : memref<2x128xi32, #tpu.memory_space<vmem>>, vector<1x16xi32>,
    %get3A_217 = arith.constant 0 : i32
    %get3A_218 = arith.index_cast %get3A_217 : i32 to index
    %get3A_219 = arith.constant 64 : index
    %get3A_220 = tpu.vector_load %arg11[%get3A_218, %get3A_219] {strides = array<i32>} : memref<2x128xi32, #tpu.memory_space<vmem>>, vector<1x16xi32>,
    %get3A_221 = vector.shape_cast %get3A_220 : vector<1x16xi32> to vector<16xi32>
    %get3A_222 = arith.constant 0 : i32
    %get3A_223 = arith.index_cast %get3A_222 : i32 to index
    %get3A_224 = arith.constant 64 : index
    %get3A_225 = tpu.vector_load %arg9[%get3A_223, %get3A_224] {strides = array<i32>} : memref<2x128xi32, #tpu.memory_space<vmem>>, vector<1x16xi32>,
    %get3A_226 = vector.shape_cast %get3A_225 : vector<1x16xi32> to vector<16xi32>
    %add3A_227 = arith.addi %get3A_221, %get3A_226 : vector<16xi32>
    %swap3A_228 = arith.constant 0 : i32
    %swap3A_229 = arith.index_cast %swap3A_228 : i32 to index
    %swap3A_230 = arith.constant 64 : index
    %swap3A_231 = tpu.vector_load %arg10[%swap3A_229, %swap3A_230] {strides = array<i32>} : memref<2x128xi32, #tpu.memory_space<vmem>>, vector<1x16xi32>,
    %swap3A_232 = vector.shape_cast %swap3A_231 : vector<1x16xi32> to vector<16xi32>
    %swap3A_233 = vector.shape_cast %add3A_227 : vector<16xi32> to vector<1x16xi32>
    tpu.vector_store %arg10[%swap3A_229, %swap3A_230], %swap3A_233 {strides = array<i32>} : memref<2x128xi32, #tpu.memory_space<vmem>>, vector<1x16xi32>,
    %get3A_234 = arith.constant 0 : i32
    %get3A_235 = arith.index_cast %get3A_234 : i32 to index
    %get3A_236 = arith.constant 80 : index
    %get3A_237 = tpu.vector_load %arg11[%get3A_235, %get3A_236] {strides = array<i32>} : memref<2x128xi32, #tpu.memory_space<vmem>>, vector<1x16xi32>,
    %get3A_238 = vector.shape_cast %get3A_237 : vector<1x16xi32> to vector<16xi32>
    %get3A_239 = arith.constant 0 : i32
    %get3A_240 = arith.index_cast %get3A_239 : i32 to index
    %get3A_241 = arith.constant 80 : index
    %get3A_242 = tpu.vector_load %arg9[%get3A_240, %get3A_241] {strides = array<i32>} : memref<2x128xi32, #tpu.memory_space<vmem>>, vector<1x16xi32>,
    %get3A_243 = vector.shape_cast %get3A_242 : vector<1x16xi32> to vector<16xi32>
    %add3A_244 = arith.addi %get3A_238, %get3A_243 : vector<16xi32>
    %swap3A_245 = arith.constant 0 : i32
    %swap3A_246 = arith.index_cast %swap3A_245 : i32 to index
    %swap3A_247 = arith.constant 80 : index
    %swap3A_248 = tpu.vector_load %arg10[%swap3A_246, %swap3A_247] {strides = array<i32>} : memref<2x128xi32, #tpu.memory_space<vmem>>, vector<1x16xi32>,
    %swap3A_249 = vector.shape_cast %swap3A_248 : vector<1x16xi32> to vector<16xi32>
    %swap3A_250 = vector.shape_cast %add3A_244 : vector<16xi32> to vector<1x16xi32>
    tpu.vector_store %arg10[%swap3A_246, %swap3A_247], %swap3A_250 {strides = array<i32>} : memref<2x128xi32, #tpu.memory_space<vmem>>, vector<1x16xi32>,
    %get3A_251 = arith.constant 0 : i32
    %get3A_252 = arith.index_cast %get3A_251 : i32 to index
    %get3A_253 = arith.constant 96 : index
    %get3A_254 = tpu.vector_load %arg11[%get3A_252, %get3A_253] {strides = array<i32>} : memref<2x128xi32, #tpu.memory_space<vmem>>, vector<1x16xi32>,
    %get3A_255 = vector.shape_cast %get3A_254 : vector<1x16xi32> to vector<16xi32>
    %get3A_256 = arith.constant 0 : i32
    %get3A_257 = arith.index_cast %get3A_256 : i32 to index
    %get3A_258 = arith.constant 96 : index
    %get3A_259 = tpu.vector_load %arg9[%get3A_257, %get3A_258] {strides = array<i32>} : memref<2x128xi32, #tpu.memory_space<vmem>>, vector<1x16xi32>,
    %get3A_260 = vector.shape_cast %get3A_259 : vector<1x16xi32> to vector<16xi32>
    %add3A_261 = arith.addi %get3A_255, %get3A_260 : vector<16xi32>
    %swap3A_262 = arith.constant 0 : i32
    %swap3A_263 = arith.index_cast %swap3A_262 : i32 to index
    %swap3A_264 = arith.constant 96 : index
    %swap3A_265 = tpu.vector_load %arg10[%swap3A_263, %swap3A_264] {strides = array<i32>} : memref<2x128xi32, #tpu.memory_space<vmem>>, vector<1x16xi32>,
    %swap3A_266 = vector.shape_cast %swap3A_265 : vector<1x16xi32> to vector<16xi32>
    %swap3A_267 = vector.shape_cast %add3A_261 : vector<16xi32> to vector<1x16xi32>
    tpu.vector_store %arg10[%swap3A_263, %swap3A_264], %swap3A_267 {strides = array<i32>} : memref<2x128xi32, #tpu.memory_space<vmem>>, vector<1x16xi32>,
    %get3A_268 = arith.constant 0 : i32
    %get3A_269 = arith.index_cast %get3A_268 : i32 to index
    %get3A_270 = arith.constant 112 : index
    %get3A_271 = tpu.vector_load %arg11[%get3A_269, %get3A_270] {strides = array<i32>} : memref<2x128xi32, #tpu.memory_space<vmem>>, vector<1x16xi32>,
    %get3A_272 = vector.shape_cast %get3A_271 : vector<1x16xi32> to vector<16xi32>
    %get3A_273 = arith.constant 0 : i32
    %get3A_274 = arith.index_cast %get3A_273 : i32 to index
    %get3A_275 = arith.constant 112 : index
    %get3A_276 = tpu.vector_load %arg9[%get3A_274, %get3A_275] {strides = array<i32>} : memref<2x128xi32, #tpu.memory_space<vmem>>, vector<1x16xi32>,
    %get3A_277 = vector.shape_cast %get3A_276 : vector<1x16xi32> to vector<16xi32>
    %add3A_278 = arith.addi %get3A_272, %get3A_277 : vector<16xi32>
    %swap3A_279 = arith.constant 0 : i32
    %swap3A_280 = arith.index_cast %swap3A_279 : i32 to index
    %swap3A_281 = arith.constant 112 : index
    %swap3A_282 = tpu.vector_load %arg10[%swap3A_280, %swap3A_281] {strides = array<i32>} : memref<2x128xi32, #tpu.memory_space<vmem>>, vector<1x16xi32>,
    %swap3A_283 = vector.shape_cast %swap3A_282 : vector<1x16xi32> to vector<16xi32>
    %swap3A_284 = vector.shape_cast %add3A_278 : vector<16xi32> to vector<1x16xi32>
    tpu.vector_store %arg10[%swap3A_280, %swap3A_281], %swap3A_284 {strides = array<i32>} : memref<2x128xi32, #tpu.memory_space<vmem>>, vector<1x16xi32>,
    %get3A_285 = arith.constant 1 : i32
    %get3A_286 = arith.index_cast %get3A_285 : i32 to index
    %get3A_287 = arith.constant 0 : index
    %get3A_288 = tpu.vector_load %arg11[%get3A_286, %get3A_287] {strides = array<i32>} : memref<2x128xi32, #tpu.memory_space<vmem>>, vector<1x16xi32>,
    %get3A_289 = vector.shape_cast %get3A_288 : vector<1x16xi32> to vector<16xi32>
    %get3A_290 = arith.constant 1 : i32
    %get3A_291 = arith.index_cast %get3A_290 : i32 to index
    %get3A_292 = arith.constant 0 : index
    %get3A_293 = tpu.vector_load %arg9[%get3A_291, %get3A_292] {strides = array<i32>} : memref<2x128xi32, #tpu.memory_space<vmem>>, vector<1x16xi32>,
    %get3A_294 = vector.shape_cast %get3A_293 : vector<1x16xi32> to vector<16xi32>
    %add3A_295 = arith.addi %get3A_289, %get3A_294 : vector<16xi32>
    %swap3A_296 = arith.constant 1 : i32
    %swap3A_297 = arith.index_cast %swap3A_296 : i32 to index
    %swap3A_298 = arith.constant 0 : index
    %swap3A_299 = tpu.vector_load %arg10[%swap3A_297, %swap3A_298] {strides = array<i32>} : memref<2x128xi32, #tpu.memory_space<vmem>>, vector<1x16xi32>,
    %swap3A_300 = vector.shape_cast %swap3A_299 : vector<1x16xi32> to vector<16xi32>
    %swap3A_301 = vector.shape_cast %add3A_295 : vector<16xi32> to vector<1x16xi32>
    tpu.vector_store %arg10[%swap3A_297, %swap3A_298], %swap3A_301 {strides = array<i32>} : memref<2x128xi32, #tpu.memory_space<vmem>>, vector<1x16xi32>,
    %get3A_302 = arith.constant 1 : i32
    %get3A_303 = arith.index_cast %get3A_302 : i32 to index
    %get3A_304 = arith.constant 16 : index
    %get3A_305 = tpu.vector_load %arg11[%get3A_303, %get3A_304] {strides = array<i32>} : memref<2x128xi32, #tpu.memory_space<vmem>>, vector<1x16xi32>,
    %get3A_306 = vector.shape_cast %get3A_305 : vector<1x16xi32> to vector<16xi32>
    %get3A_307 = arith.constant 1 : i32
    %get3A_308 = arith.index_cast %get3A_307 : i32 to index
    %get3A_309 = arith.constant 16 : index
    %get3A_310 = tpu.vector_load %arg9[%get3A_308, %get3A_309] {strides = array<i32>} : memref<2x128xi32, #tpu.memory_space<vmem>>, vector<1x16xi32>,
    %get3A_311 = vector.shape_cast %get3A_310 : vector<1x16xi32> to vector<16xi32>
    %add3A_312 = arith.addi %get3A_306, %get3A_311 : vector<16xi32>
    %swap3A_313 = arith.constant 1 : i32
    %swap3A_314 = arith.index_cast %swap3A_313 : i32 to index
    %swap3A_315 = arith.constant 16 : index
    %swap3A_316 = tpu.vector_load %arg10[%swap3A_314, %swap3A_315] {strides = array<i32>} : memref<2x128xi32, #tpu.memory_space<vmem>>, vector<1x16xi32>,
    %swap3A_317 = vector.shape_cast %swap3A_316 : vector<1x16xi32> to vector<16xi32>
    %swap3A_318 = vector.shape_cast %add3A_312 : vector<16xi32> to vector<1x16xi32>
    tpu.vector_store %arg10[%swap3A_314, %swap3A_315], %swap3A_318 {strides = array<i32>} : memref<2x128xi32, #tpu.memory_space<vmem>>, vector<1x16xi32>,
    %get3A_319 = arith.constant 1 : i32
    %get3A_320 = arith.index_cast %get3A_319 : i32 to index
    %get3A_321 = arith.constant 32 : index
    %get3A_322 = tpu.vector_load %arg11[%get3A_320, %get3A_321] {strides = array<i32>} : memref<2x128xi32, #tpu.memory_space<vmem>>, vector<1x16xi32>,
    %get3A_323 = vector.shape_cast %get3A_322 : vector<1x16xi32> to vector<16xi32>
    %get3A_324 = arith.constant 1 : i32
    %get3A_325 = arith.index_cast %get3A_324 : i32 to index
    %get3A_326 = arith.constant 32 : index
    %get3A_327 = tpu.vector_load %arg9[%get3A_325, %get3A_326] {strides = array<i32>} : memref<2x128xi32, #tpu.memory_space<vmem>>, vector<1x16xi32>,
    %get3A_328 = vector.shape_cast %get3A_327 : vector<1x16xi32> to vector<16xi32>
    %add3A_329 = arith.addi %get3A_323, %get3A_328 : vector<16xi32>
    %swap3A_330 = arith.constant 1 : i32
    %swap3A_331 = arith.index_cast %swap3A_330 : i32 to index
    %swap3A_332 = arith.constant 32 : index
    %swap3A_333 = tpu.vector_load %arg10[%swap3A_331, %swap3A_332] {strides = array<i32>} : memref<2x128xi32, #tpu.memory_space<vmem>>, vector<1x16xi32>,
    %swap3A_334 = vector.shape_cast %swap3A_333 : vector<1x16xi32> to vector<16xi32>
    %swap3A_335 = vector.shape_cast %add3A_329 : vector<16xi32> to vector<1x16xi32>
    tpu.vector_store %arg10[%swap3A_331, %swap3A_332], %swap3A_335 {strides = array<i32>} : memref<2x128xi32, #tpu.memory_space<vmem>>, vector<1x16xi32>,
    %get3A_336 = arith.constant 1 : i32
    %get3A_337 = arith.index_cast %get3A_336 : i32 to index
    %get3A_338 = arith.constant 48 : index
    %get3A_339 = tpu.vector_load %arg11[%get3A_337, %get3A_338] {strides = array<i32>} : memref<2x128xi32, #tpu.memory_space<vmem>>, vector<1x16xi32>,
    %get3A_340 = vector.shape_cast %get3A_339 : vector<1x16xi32> to vector<16xi32>
    %get3A_341 = arith.constant 1 : i32
    %get3A_342 = arith.index_cast %get3A_341 : i32 to index
    %get3A_343 = arith.constant 48 : index
    %get3A_344 = tpu.vector_load %arg9[%get3A_342, %get3A_343] {strides = array<i32>} : memref<2x128xi32, #tpu.memory_space<vmem>>, vector<1x16xi32>,
    %get3A_345 = vector.shape_cast %get3A_344 : vector<1x16xi32> to vector<16xi32>
    %add3A_346 = arith.addi %get3A_340, %get3A_345 : vector<16xi32>
    %swap3A_347 = arith.constant 1 : i32
    %swap3A_348 = arith.index_cast %swap3A_347 : i32 to index
    %swap3A_349 = arith.constant 48 : index
    %swap3A_350 = tpu.vector_load %arg10[%swap3A_348, %swap3A_349] {strides = array<i32>} : memref<2x128xi32, #tpu.memory_space<vmem>>, vector<1x16xi32>,
    %swap3A_351 = vector.shape_cast %swap3A_350 : vector<1x16xi32> to vector<16xi32>
    %swap3A_352 = vector.shape_cast %add3A_346 : vector<16xi32> to vector<1x16xi32>
    tpu.vector_store %arg10[%swap3A_348, %swap3A_349], %swap3A_352 {strides = array<i32>} : memref<2x128xi32, #tpu.memory_space<vmem>>, vector<1x16xi32>,
    %get3A_353 = arith.constant 1 : i32
    %get3A_354 = arith.index_cast %get3A_353 : i32 to index
    %get3A_355 = arith.constant 64 : index
    %get3A_356 = tpu.vector_load %arg11[%get3A_354, %get3A_355] {strides = array<i32>} : memref<2x128xi32, #tpu.memory_space<vmem>>, vector<1x16xi32>,
    %get3A_357 = vector.shape_cast %get3A_356 : vector<1x16xi32> to vector<16xi32>
    %get3A_358 = arith.constant 1 : i32
    %get3A_359 = arith.index_cast %get3A_358 : i32 to index
    %get3A_360 = arith.constant 64 : index
    %get3A_361 = tpu.vector_load %arg9[%get3A_359, %get3A_360] {strides = array<i32>} : memref<2x128xi32, #tpu.memory_space<vmem>>, vector<1x16xi32>,
    %get3A_362 = vector.shape_cast %get3A_361 : vector<1x16xi32> to vector<16xi32>
    %add3A_363 = arith.addi %get3A_357, %get3A_362 : vector<16xi32>
    %swap3A_364 = arith.constant 1 : i32
    %swap3A_365 = arith.index_cast %swap3A_364 : i32 to index
    %swap3A_366 = arith.constant 64 : index
    %swap3A_367 = tpu.vector_load %arg10[%swap3A_365, %swap3A_366] {strides = array<i32>} : memref<2x128xi32, #tpu.memory_space<vmem>>, vector<1x16xi32>,
    %swap3A_368 = vector.shape_cast %swap3A_367 : vector<1x16xi32> to vector<16xi32>
    %swap3A_369 = vector.shape_cast %add3A_363 : vector<16xi32> to vector<1x16xi32>
    tpu.vector_store %arg10[%swap3A_365, %swap3A_366], %swap3A_369 {strides = array<i32>} : memref<2x128xi32, #tpu.memory_space<vmem>>, vector<1x16xi32>,
    %get3A_370 = arith.constant 1 : i32
    %get3A_371 = arith.index_cast %get3A_370 : i32 to index
    %get3A_372 = arith.constant 80 : index
    %get3A_373 = tpu.vector_load %arg11[%get3A_371, %get3A_372] {strides = array<i32>} : memref<2x128xi32, #tpu.memory_space<vmem>>, vector<1x16xi32>,
    %get3A_374 = vector.shape_cast %get3A_373 : vector<1x16xi32> to vector<16xi32>
    %get3A_375 = arith.constant 1 : i32
    %get3A_376 = arith.index_cast %get3A_375 : i32 to index
    %get3A_377 = arith.constant 80 : index
    %get3A_378 = tpu.vector_load %arg9[%get3A_376, %get3A_377] {strides = array<i32>} : memref<2x128xi32, #tpu.memory_space<vmem>>, vector<1x16xi32>,
    %get3A_379 = vector.shape_cast %get3A_378 : vector<1x16xi32> to vector<16xi32>
    %add3A_380 = arith.addi %get3A_374, %get3A_379 : vector<16xi32>
    %swap3A_381 = arith.constant 1 : i32
    %swap3A_382 = arith.index_cast %swap3A_381 : i32 to index
    %swap3A_383 = arith.constant 80 : index
    %swap3A_384 = tpu.vector_load %arg10[%swap3A_382, %swap3A_383] {strides = array<i32>} : memref<2x128xi32, #tpu.memory_space<vmem>>, vector<1x16xi32>,
    %swap3A_385 = vector.shape_cast %swap3A_384 : vector<1x16xi32> to vector<16xi32>
    %swap3A_386 = vector.shape_cast %add3A_380 : vector<16xi32> to vector<1x16xi32>
    tpu.vector_store %arg10[%swap3A_382, %swap3A_383], %swap3A_386 {strides = array<i32>} : memref<2x128xi32, #tpu.memory_space<vmem>>, vector<1x16xi32>,
    %get3A_387 = arith.constant 1 : i32
    %get3A_388 = arith.index_cast %get3A_387 : i32 to index
    %get3A_389 = arith.constant 96 : index
    %get3A_390 = tpu.vector_load %arg11[%get3A_388, %get3A_389] {strides = array<i32>} : memref<2x128xi32, #tpu.memory_space<vmem>>, vector<1x16xi32>,
    %get3A_391 = vector.shape_cast %get3A_390 : vector<1x16xi32> to vector<16xi32>
    %get3A_392 = arith.constant 1 : i32
    %get3A_393 = arith.index_cast %get3A_392 : i32 to index
    %get3A_394 = arith.constant 96 : index
    %get3A_395 = tpu.vector_load %arg9[%get3A_393, %get3A_394] {strides = array<i32>} : memref<2x128xi32, #tpu.memory_space<vmem>>, vector<1x16xi32>,
    %get3A_396 = vector.shape_cast %get3A_395 : vector<1x16xi32> to vector<16xi32>
    %add3A_397 = arith.addi %get3A_391, %get3A_396 : vector<16xi32>
    %swap3A_398 = arith.constant 1 : i32
    %swap3A_399 = arith.index_cast %swap3A_398 : i32 to index
    %swap3A_400 = arith.constant 96 : index
    %swap3A_401 = tpu.vector_load %arg10[%swap3A_399, %swap3A_400] {strides = array<i32>} : memref<2x128xi32, #tpu.memory_space<vmem>>, vector<1x16xi32>,
    %swap3A_402 = vector.shape_cast %swap3A_401 : vector<1x16xi32> to vector<16xi32>
    %swap3A_403 = vector.shape_cast %add3A_397 : vector<16xi32> to vector<1x16xi32>
    tpu.vector_store %arg10[%swap3A_399, %swap3A_400], %swap3A_403 {strides = array<i32>} : memref<2x128xi32, #tpu.memory_space<vmem>>, vector<1x16xi32>,
    %get3A_404 = arith.constant 1 : i32
    %get3A_405 = arith.index_cast %get3A_404 : i32 to index
    %get3A_406 = arith.constant 112 : index
    %get3A_407 = tpu.vector_load %arg11[%get3A_405, %get3A_406] {strides = array<i32>} : memref<2x128xi32, #tpu.memory_space<vmem>>, vector<1x16xi32>,
    %get3A_408 = vector.shape_cast %get3A_407 : vector<1x16xi32> to vector<16xi32>
    %get3A_409 = arith.constant 1 : i32
    %get3A_410 = arith.index_cast %get3A_409 : i32 to index
    %get3A_411 = arith.constant 112 : index
    %get3A_412 = tpu.vector_load %arg9[%get3A_410, %get3A_411] {strides = array<i32>} : memref<2x128xi32, #tpu.memory_space<vmem>>, vector<1x16xi32>,
    %get3A_413 = vector.shape_cast %get3A_412 : vector<1x16xi32> to vector<16xi32>
    %add3A_414 = arith.addi %get3A_408, %get3A_413 : vector<16xi32>
    %swap3A_415 = arith.constant 1 : i32
    %swap3A_416 = arith.index_cast %swap3A_415 : i32 to index
    %swap3A_417 = arith.constant 112 : index
    %swap3A_418 = tpu.vector_load %arg10[%swap3A_416, %swap3A_417] {strides = array<i32>} : memref<2x128xi32, #tpu.memory_space<vmem>>, vector<1x16xi32>,
    %swap3A_419 = vector.shape_cast %swap3A_418 : vector<1x16xi32> to vector<16xi32>
    %swap3A_420 = vector.shape_cast %add3A_414 : vector<16xi32> to vector<1x16xi32>
    tpu.vector_store %arg10[%swap3A_416, %swap3A_417], %swap3A_420 {strides = array<i32>} : memref<2x128xi32, #tpu.memory_space<vmem>>, vector<1x16xi32>,
    %mul3A_421 = arith.constant 2 : i32
    %mul3A_422 = arith.muli %add3A, %mul3A_421 : i32
    %dma_start3A_423 = arith.constant 0 : i32
    %dma_start3A_424 = tpu.memref_slice %arg7[%mul3A_422, %dma_start3A_423] : memref<64x128xi32, #tpu.memory_space<hbm>> -> memref<2x128xi32, #tpu.memory_space<hbm>>
    %dma_start3A_425 = arith.constant 0 : i32
    %dma_start3A_426 = tpu.memref_slice %arg7[%mul3A_422, %dma_start3A_425] : memref<64x128xi32, #tpu.memory_space<hbm>> -> memref<2x128xi32, #tpu.memory_space<hbm>>
    tpu.enqueue_dma source(%arg10 : memref<2x128xi32, #tpu.memory_space<vmem>>) target(%dma_start3A_426 : memref<2x128xi32, #tpu.memory_space<hbm>>) target_semaphore(%arg20 : memref<!tpu.dma_semaphore, #tpu.memory_space<semaphore_mem>>)
    %dma_wait3A_427 = arith.constant 0 : i32
    %dma_wait3A_428 = tpu.memref_slice %arg2[%add3A_4, %dma_wait3A_427] : memref<8192x384xi32, #tpu.memory_space<hbm>> -> memref<128x384xi32, #tpu.memory_space<hbm>>
    %dma_wait3A_429 = arith.constant 0 : i32
    %dma_wait3A_430 = tpu.memref_slice %arg2[%add3A_4, %dma_wait3A_429] : memref<8192x384xi32, #tpu.memory_space<hbm>> -> memref<128x384xi32, #tpu.memory_space<hbm>>
    tpu.wait_dma2 semaphore(%arg16 : memref<!tpu.dma_semaphore, #tpu.memory_space<semaphore_mem>>) src(%dma_wait3A_430 : memref<128x384xi32, #tpu.memory_space<hbm>>) dst(%arg13 : memref<128x384xi32, #tpu.memory_space<vmem>>)
    %dma_start3A_431 = arith.constant 0 : i32
    %dma_start3A_432 = arith.constant 0 : i32
    %dma_start3A_433 = tpu.memref_slice %arg10[%dma_start3A_431, %dma_start3A_432] : memref<2x128xi32, #tpu.memory_space<vmem>> -> memref<1x128xi32, #tpu.memory_space<vmem>>
    %dma_start3A_434 = tpu.memref_squeeze %dma_start3A_433 : memref<1x128xi32, #tpu.memory_space<vmem>> -> memref<128xi32, #tpu.memory_space<vmem>>
    %dma_start3A_435 = arith.constant 0 : i32
    %dma_start3A_436 = arith.constant 0 : i32
    %dma_start3A_437 = tpu.memref_slice %arg6[%dma_start3A_435, %dma_start3A_436] : memref<24576x384xi32, #tpu.memory_space<hbm>> -> memref<24576x384xi32, #tpu.memory_space<hbm>>
    tpu.enqueue_indirect_dma source(%arg13 : memref<128x384xi32, #tpu.memory_space<vmem>>) target(%dma_start3A_437 : memref<24576x384xi32, #tpu.memory_space<hbm>>) offsets(%dma_start3A_434 : memref<128xi32, #tpu.memory_space<vmem>>) semaphore(%arg18 : memref<!tpu.dma_semaphore, #tpu.memory_space<semaphore_mem>>)
    %dma_wait3A_438 = arith.constant 0 : i32
    %dma_wait3A_439 = tpu.memref_slice %arg2[%add3A_9, %dma_wait3A_438] : memref<8192x384xi32, #tpu.memory_space<hbm>> -> memref<128x384xi32, #tpu.memory_space<hbm>>
    %dma_wait3A_440 = arith.constant 0 : i32
    %dma_wait3A_441 = tpu.memref_slice %arg2[%add3A_9, %dma_wait3A_440] : memref<8192x384xi32, #tpu.memory_space<hbm>> -> memref<128x384xi32, #tpu.memory_space<hbm>>
    tpu.wait_dma2 semaphore(%arg17 : memref<!tpu.dma_semaphore, #tpu.memory_space<semaphore_mem>>) src(%dma_wait3A_441 : memref<128x384xi32, #tpu.memory_space<hbm>>) dst(%arg14 : memref<128x384xi32, #tpu.memory_space<vmem>>)
    %dma_start3A_442 = arith.constant 1 : i32
    %dma_start3A_443 = arith.constant 0 : i32
    %dma_start3A_444 = tpu.memref_slice %arg10[%dma_start3A_442, %dma_start3A_443] : memref<2x128xi32, #tpu.memory_space<vmem>> -> memref<1x128xi32, #tpu.memory_space<vmem>>
    %dma_start3A_445 = tpu.memref_squeeze %dma_start3A_444 : memref<1x128xi32, #tpu.memory_space<vmem>> -> memref<128xi32, #tpu.memory_space<vmem>>
    %dma_start3A_446 = arith.constant 0 : i32
    %dma_start3A_447 = arith.constant 0 : i32
    %dma_start3A_448 = tpu.memref_slice %arg6[%dma_start3A_446, %dma_start3A_447] : memref<24576x384xi32, #tpu.memory_space<hbm>> -> memref<24576x384xi32, #tpu.memory_space<hbm>>
    tpu.enqueue_indirect_dma source(%arg14 : memref<128x384xi32, #tpu.memory_space<vmem>>) target(%dma_start3A_448 : memref<24576x384xi32, #tpu.memory_space<hbm>>) offsets(%dma_start3A_445 : memref<128xi32, #tpu.memory_space<vmem>>) semaphore(%arg19 : memref<!tpu.dma_semaphore, #tpu.memory_space<semaphore_mem>>)
    %dma_wait3A_449 = arith.constant 0 : i32
    %dma_wait3A_450 = arith.constant 0 : i32
    %dma_wait3A_451 = tpu.memref_slice %arg10[%dma_wait3A_449, %dma_wait3A_450] : memref<2x128xi32, #tpu.memory_space<vmem>> -> memref<1x128xi32, #tpu.memory_space<vmem>>
    %dma_wait3A_452 = tpu.memref_squeeze %dma_wait3A_451 : memref<1x128xi32, #tpu.memory_space<vmem>> -> memref<128xi32, #tpu.memory_space<vmem>>
    %dma_wait3A_453 = arith.constant 0 : i32
    %dma_wait3A_454 = arith.constant 0 : i32
    %dma_wait3A_455 = tpu.memref_slice %arg6[%dma_wait3A_453, %dma_wait3A_454] : memref<24576x384xi32, #tpu.memory_space<hbm>> -> memref<24576x384xi32, #tpu.memory_space<hbm>>
    tpu.wait_indirect_dma semaphore(%arg18 : memref<!tpu.dma_semaphore, #tpu.memory_space<semaphore_mem>>) src(%arg13 : memref<128x384xi32, #tpu.memory_space<vmem>>) dst(%dma_wait3A_455 : memref<24576x384xi32, #tpu.memory_space<hbm>>)
    %dma_wait3A_456 = arith.constant 1 : i32
    %dma_wait3A_457 = arith.constant 0 : i32
    %dma_wait3A_458 = tpu.memref_slice %arg10[%dma_wait3A_456, %dma_wait3A_457] : memref<2x128xi32, #tpu.memory_space<vmem>> -> memref<1x128xi32, #tpu.memory_space<vmem>>
    %dma_wait3A_459 = tpu.memref_squeeze %dma_wait3A_458 : memref<1x128xi32, #tpu.memory_space<vmem>> -> memref<128xi32, #tpu.memory_space<vmem>>
    %dma_wait3A_460 = arith.constant 0 : i32
    %dma_wait3A_461 = arith.constant 0 : i32
    %dma_wait3A_462 = tpu.memref_slice %arg6[%dma_wait3A_460, %dma_wait3A_461] : memref<24576x384xi32, #tpu.memory_space<hbm>> -> memref<24576x384xi32, #tpu.memory_space<hbm>>
    tpu.wait_indirect_dma semaphore(%arg19 : memref<!tpu.dma_semaphore, #tpu.memory_space<semaphore_mem>>) src(%arg14 : memref<128x384xi32, #tpu.memory_space<vmem>>) dst(%dma_wait3A_462 : memref<24576x384xi32, #tpu.memory_space<hbm>>)
    %dma_wait3A_463 = arith.constant 0 : i32
    %dma_wait3A_464 = tpu.memref_slice %arg7[%mul3A_422, %dma_wait3A_463] : memref<64x128xi32, #tpu.memory_space<hbm>> -> memref<2x128xi32, #tpu.memory_space<hbm>>
    %dma_wait3A_465 = arith.constant 0 : i32
    %dma_wait3A_466 = tpu.memref_slice %arg7[%mul3A_422, %dma_wait3A_465] : memref<64x128xi32, #tpu.memory_space<hbm>> -> memref<2x128xi32, #tpu.memory_space<hbm>>
    tpu.wait_dma2 semaphore(%arg20 : memref<!tpu.dma_semaphore, #tpu.memory_space<semaphore_mem>>) src(%arg10 : memref<2x128xi32, #tpu.memory_space<vmem>>) dst(%dma_wait3A_466 : memref<2x128xi32, #tpu.memory_space<hbm>>)
    return
  }
}

#map = affine_map<(d0, d1) -> (0, 0)>
module attributes {stable_mosaic.version = 14 : i64} {
  func.func @_combine_body(%arg0: i32, %arg1: i32, %arg2: memref<24576x384xi32, #tpu.memory_space<hbm>>, %arg3: memref<64x128xi32, #tpu.memory_space<hbm>>, %arg4: memref<8192x384xi32, #tpu.memory_space<hbm>>, %arg5: memref<2x128xi32, #tpu.memory_space<vmem>>, %arg6: memref<128x384xi32, #tpu.memory_space<vmem>>, %arg7: memref<128x384xi32, #tpu.memory_space<vmem>>, %arg8: memref<!tpu.dma_semaphore, #tpu.memory_space<semaphore_mem>>, %arg9: memref<!tpu.dma_semaphore, #tpu.memory_space<semaphore_mem>>, %arg10: memref<!tpu.dma_semaphore, #tpu.memory_space<semaphore_mem>>, %arg11: memref<!tpu.dma_semaphore, #tpu.memory_space<semaphore_mem>>) attributes {dimension_semantics = [#tpu.dimension_semantics<core_parallel>, #tpu.dimension_semantics<subcore_parallel>], iteration_bounds = array<i64: 2, 16>, scalar_prefetch = 0 : i64, scratch_operands = 7 : i64, tpu.core_type = #tpu.core_type<sc_vector_subcore>, window_params = [{transform_indices = #map}, {transform_indices = #map}, {transform_indices = #map}]} {
    %mul3A = arith.constant 2 : i32
    %mul3A_0 = arith.muli %arg1, %mul3A : i32
    %add3A = arith.addi %mul3A_0, %arg0 : i32
    %mul3A_1 = arith.constant 256 : i32
    %mul3A_2 = arith.muli %add3A, %mul3A_1 : i32
    %mul3A_3 = arith.constant 2 : i32
    %mul3A_4 = arith.muli %add3A, %mul3A_3 : i32
    "tpu.region"() ({
      %run_scoped3A = tpu.sem_alloc : memref<!tpu.dma_semaphore, #tpu.memory_space<semaphore_mem>>
      %dma_start3A_51 = arith.constant 0 : i32
      %dma_start3A_52 = tpu.memref_slice %arg3[%mul3A_4, %dma_start3A_51] : memref<64x128xi32, #tpu.memory_space<hbm>> -> memref<2x128xi32, #tpu.memory_space<hbm>>
      %dma_start3A_53 = arith.constant 0 : i32
      %dma_start3A_54 = tpu.memref_slice %arg3[%mul3A_4, %dma_start3A_53] : memref<64x128xi32, #tpu.memory_space<hbm>> -> memref<2x128xi32, #tpu.memory_space<hbm>>
      tpu.enqueue_dma source(%dma_start3A_54 : memref<2x128xi32, #tpu.memory_space<hbm>>) target(%arg5 : memref<2x128xi32, #tpu.memory_space<vmem>>) target_semaphore(%run_scoped3A : memref<!tpu.dma_semaphore, #tpu.memory_space<semaphore_mem>>)
      %dma_wait3A_55 = arith.constant 0 : i32
      %dma_wait3A_56 = tpu.memref_slice %arg3[%mul3A_4, %dma_wait3A_55] : memref<64x128xi32, #tpu.memory_space<hbm>> -> memref<2x128xi32, #tpu.memory_space<hbm>>
      %dma_wait3A_57 = arith.constant 0 : i32
      %dma_wait3A_58 = tpu.memref_slice %arg3[%mul3A_4, %dma_wait3A_57] : memref<64x128xi32, #tpu.memory_space<hbm>> -> memref<2x128xi32, #tpu.memory_space<hbm>>
      tpu.wait_dma2 semaphore(%run_scoped3A : memref<!tpu.dma_semaphore, #tpu.memory_space<semaphore_mem>>) src(%dma_wait3A_58 : memref<2x128xi32, #tpu.memory_space<hbm>>) dst(%arg5 : memref<2x128xi32, #tpu.memory_space<vmem>>)
      tpu.yield
    }) : () -> ()
    %dma_start3A = arith.constant 0 : i32
    %dma_start3A_5 = arith.constant 0 : i32
    %dma_start3A_6 = tpu.memref_slice %arg5[%dma_start3A, %dma_start3A_5] : memref<2x128xi32, #tpu.memory_space<vmem>> -> memref<1x128xi32, #tpu.memory_space<vmem>>
    %dma_start3A_7 = tpu.memref_squeeze %dma_start3A_6 : memref<1x128xi32, #tpu.memory_space<vmem>> -> memref<128xi32, #tpu.memory_space<vmem>>
    %dma_start3A_8 = arith.constant 0 : i32
    %dma_start3A_9 = arith.constant 0 : i32
    %dma_start3A_10 = tpu.memref_slice %arg2[%dma_start3A_8, %dma_start3A_9] : memref<24576x384xi32, #tpu.memory_space<hbm>> -> memref<24576x384xi32, #tpu.memory_space<hbm>>
    tpu.enqueue_indirect_dma source(%dma_start3A_10 : memref<24576x384xi32, #tpu.memory_space<hbm>>) target(%arg6 : memref<128x384xi32, #tpu.memory_space<vmem>>) offsets(%dma_start3A_7 : memref<128xi32, #tpu.memory_space<vmem>>) semaphore(%arg8 : memref<!tpu.dma_semaphore, #tpu.memory_space<semaphore_mem>>)
    %dma_start3A_11 = arith.constant 1 : i32
    %dma_start3A_12 = arith.constant 0 : i32
    %dma_start3A_13 = tpu.memref_slice %arg5[%dma_start3A_11, %dma_start3A_12] : memref<2x128xi32, #tpu.memory_space<vmem>> -> memref<1x128xi32, #tpu.memory_space<vmem>>
    %dma_start3A_14 = tpu.memref_squeeze %dma_start3A_13 : memref<1x128xi32, #tpu.memory_space<vmem>> -> memref<128xi32, #tpu.memory_space<vmem>>
    %dma_start3A_15 = arith.constant 0 : i32
    %dma_start3A_16 = arith.constant 0 : i32
    %dma_start3A_17 = tpu.memref_slice %arg2[%dma_start3A_15, %dma_start3A_16] : memref<24576x384xi32, #tpu.memory_space<hbm>> -> memref<24576x384xi32, #tpu.memory_space<hbm>>
    tpu.enqueue_indirect_dma source(%dma_start3A_17 : memref<24576x384xi32, #tpu.memory_space<hbm>>) target(%arg7 : memref<128x384xi32, #tpu.memory_space<vmem>>) offsets(%dma_start3A_14 : memref<128xi32, #tpu.memory_space<vmem>>) semaphore(%arg9 : memref<!tpu.dma_semaphore, #tpu.memory_space<semaphore_mem>>)
    %dma_wait3A = arith.constant 0 : i32
    %dma_wait3A_18 = arith.constant 0 : i32
    %dma_wait3A_19 = tpu.memref_slice %arg5[%dma_wait3A, %dma_wait3A_18] : memref<2x128xi32, #tpu.memory_space<vmem>> -> memref<1x128xi32, #tpu.memory_space<vmem>>
    %dma_wait3A_20 = tpu.memref_squeeze %dma_wait3A_19 : memref<1x128xi32, #tpu.memory_space<vmem>> -> memref<128xi32, #tpu.memory_space<vmem>>
    %dma_wait3A_21 = arith.constant 0 : i32
    %dma_wait3A_22 = arith.constant 0 : i32
    %dma_wait3A_23 = tpu.memref_slice %arg2[%dma_wait3A_21, %dma_wait3A_22] : memref<24576x384xi32, #tpu.memory_space<hbm>> -> memref<24576x384xi32, #tpu.memory_space<hbm>>
    tpu.wait_indirect_dma semaphore(%arg8 : memref<!tpu.dma_semaphore, #tpu.memory_space<semaphore_mem>>) src(%dma_wait3A_23 : memref<24576x384xi32, #tpu.memory_space<hbm>>) dst(%arg6 : memref<128x384xi32, #tpu.memory_space<vmem>>)
    %add3A_24 = arith.constant 0 : i32
    %add3A_25 = arith.addi %mul3A_2, %add3A_24 : i32
    %dma_start3A_26 = arith.constant 0 : i32
    %dma_start3A_27 = tpu.memref_slice %arg4[%add3A_25, %dma_start3A_26] : memref<8192x384xi32, #tpu.memory_space<hbm>> -> memref<128x384xi32, #tpu.memory_space<hbm>>
    %dma_start3A_28 = arith.constant 0 : i32
    %dma_start3A_29 = tpu.memref_slice %arg4[%add3A_25, %dma_start3A_28] : memref<8192x384xi32, #tpu.memory_space<hbm>> -> memref<128x384xi32, #tpu.memory_space<hbm>>
    tpu.enqueue_dma source(%arg6 : memref<128x384xi32, #tpu.memory_space<vmem>>) target(%dma_start3A_29 : memref<128x384xi32, #tpu.memory_space<hbm>>) target_semaphore(%arg10 : memref<!tpu.dma_semaphore, #tpu.memory_space<semaphore_mem>>)
    %dma_wait3A_30 = arith.constant 1 : i32
    %dma_wait3A_31 = arith.constant 0 : i32
    %dma_wait3A_32 = tpu.memref_slice %arg5[%dma_wait3A_30, %dma_wait3A_31] : memref<2x128xi32, #tpu.memory_space<vmem>> -> memref<1x128xi32, #tpu.memory_space<vmem>>
    %dma_wait3A_33 = tpu.memref_squeeze %dma_wait3A_32 : memref<1x128xi32, #tpu.memory_space<vmem>> -> memref<128xi32, #tpu.memory_space<vmem>>
    %dma_wait3A_34 = arith.constant 0 : i32
    %dma_wait3A_35 = arith.constant 0 : i32
    %dma_wait3A_36 = tpu.memref_slice %arg2[%dma_wait3A_34, %dma_wait3A_35] : memref<24576x384xi32, #tpu.memory_space<hbm>> -> memref<24576x384xi32, #tpu.memory_space<hbm>>
    tpu.wait_indirect_dma semaphore(%arg9 : memref<!tpu.dma_semaphore, #tpu.memory_space<semaphore_mem>>) src(%dma_wait3A_36 : memref<24576x384xi32, #tpu.memory_space<hbm>>) dst(%arg7 : memref<128x384xi32, #tpu.memory_space<vmem>>)
    %add3A_37 = arith.constant 128 : i32
    %add3A_38 = arith.addi %mul3A_2, %add3A_37 : i32
    %dma_start3A_39 = arith.constant 0 : i32
    %dma_start3A_40 = tpu.memref_slice %arg4[%add3A_38, %dma_start3A_39] : memref<8192x384xi32, #tpu.memory_space<hbm>> -> memref<128x384xi32, #tpu.memory_space<hbm>>
    %dma_start3A_41 = arith.constant 0 : i32
    %dma_start3A_42 = tpu.memref_slice %arg4[%add3A_38, %dma_start3A_41] : memref<8192x384xi32, #tpu.memory_space<hbm>> -> memref<128x384xi32, #tpu.memory_space<hbm>>
    tpu.enqueue_dma source(%arg7 : memref<128x384xi32, #tpu.memory_space<vmem>>) target(%dma_start3A_42 : memref<128x384xi32, #tpu.memory_space<hbm>>) target_semaphore(%arg11 : memref<!tpu.dma_semaphore, #tpu.memory_space<semaphore_mem>>)
    %dma_wait3A_43 = arith.constant 0 : i32
    %dma_wait3A_44 = tpu.memref_slice %arg4[%add3A_25, %dma_wait3A_43] : memref<8192x384xi32, #tpu.memory_space<hbm>> -> memref<128x384xi32, #tpu.memory_space<hbm>>
    %dma_wait3A_45 = arith.constant 0 : i32
    %dma_wait3A_46 = tpu.memref_slice %arg4[%add3A_25, %dma_wait3A_45] : memref<8192x384xi32, #tpu.memory_space<hbm>> -> memref<128x384xi32, #tpu.memory_space<hbm>>
    tpu.wait_dma2 semaphore(%arg10 : memref<!tpu.dma_semaphore, #tpu.memory_space<semaphore_mem>>) src(%arg6 : memref<128x384xi32, #tpu.memory_space<vmem>>) dst(%dma_wait3A_46 : memref<128x384xi32, #tpu.memory_space<hbm>>)
    %dma_wait3A_47 = arith.constant 0 : i32
    %dma_wait3A_48 = tpu.memref_slice %arg4[%add3A_38, %dma_wait3A_47] : memref<8192x384xi32, #tpu.memory_space<hbm>> -> memref<128x384xi32, #tpu.memory_space<hbm>>
    %dma_wait3A_49 = arith.constant 0 : i32
    %dma_wait3A_50 = tpu.memref_slice %arg4[%add3A_38, %dma_wait3A_49] : memref<8192x384xi32, #tpu.memory_space<hbm>> -> memref<128x384xi32, #tpu.memory_space<hbm>>
    tpu.wait_dma2 semaphore(%arg11 : memref<!tpu.dma_semaphore, #tpu.memory_space<semaphore_mem>>) src(%arg7 : memref<128x384xi32, #tpu.memory_space<vmem>>) dst(%dma_wait3A_50 : memref<128x384xi32, #tpu.memory_space<hbm>>)
    return
  }
}

module attributes {stable_mosaic.version = 14 : i64} {
  func.func @_router_body(%arg0: i32, %arg1: memref<512x768xf32, #tpu.memory_space<vmem>>, %arg2: memref<64x768xf32, #tpu.memory_space<vmem>>, %arg3: memref<1x4x128xi32, #tpu.memory_space<vmem>>, %arg4: memref<1x1x512xf32, #tpu.memory_space<vmem>>, %arg5: memref<1x4x128xi32, #tpu.memory_space<vmem>>, %arg6: memref<64x1xf32, #tpu.memory_space<vmem>>, %arg7: memref<512x384xi32, #tpu.memory_space<vmem>>, %arg8: memref<64x1xf32, #tpu.memory_space<vmem>>) attributes {dimension_semantics = [#tpu.dimension_semantics<arbitrary>], iteration_bounds = array<i64: 16>, scalar_prefetch = 0 : i64, scratch_operands = 1 : i64, tpu.core_type = #tpu.core_type<tc>, window_params = [{transform_indices = @transform_0, window_bounds = array<i64: 512, 768>}, {pipeline_mode = #tpu.pipeline_mode<synchronous>, transform_indices = @transform_1, window_bounds = array<i64: 64, 768>}, {transform_indices = @transform_2, window_bounds = array<i64: 1, 4, 128>}, {transform_indices = @transform_3, window_bounds = array<i64: 1, 1, 512>}, {transform_indices = @transform_4, window_bounds = array<i64: 1, 4, 128>}, {pipeline_mode = #tpu.pipeline_mode<synchronous>, transform_indices = @transform_5, window_bounds = array<i64: 64, 1>}, {transform_indices = @transform_6, window_bounds = array<i64: 512, 384>}]} {
    %eq3A = arith.constant 0 : i32
    %eq3A_0 = arith.cmpi eq, %arg0, %eq3A : i32
    %convert_element_type3A = arith.extui %eq3A_0 : i1 to i32
    %cond3A = arith.constant 0 : i32
    %cond3A_1 = arith.cmpi ne, %convert_element_type3A, %cond3A : i32
    scf.if %cond3A_1 {
      %broadcast_in_dim3A_82 = arith.constant 0.000000e+00 : f32
      %broadcast_in_dim3A_83 = vector.broadcast %broadcast_in_dim3A_82 : f32 to vector<64x1xf32>
      %swap3A_84 = arith.constant 0 : index
      %swap3A_85 = arith.constant 0 : index
      %swap3A_86 = vector.load %arg8[%swap3A_84, %swap3A_85] : memref<64x1xf32, #tpu.memory_space<vmem>>, vector<64x1xf32>
      tpu.vector_store %arg8[%swap3A_84, %swap3A_85], %broadcast_in_dim3A_83 {strides = array<i32>} : memref<64x1xf32, #tpu.memory_space<vmem>>, vector<64x1xf32>,
    } else {
    }
    %get3A = arith.constant 0 : index
    %get3A_2 = arith.constant 0 : index
    %get3A_3 = vector.load %arg1[%get3A, %get3A_2] : memref<512x768xf32, #tpu.memory_space<vmem>>, vector<512x768xf32>
    %bitcast_convert_type3A = tpu.bitcast %get3A_3 : vector<512x768xf32> -> vector<512x768xi32>
    %add3A = arith.constant 32768 : i32
    %add3A_4 = vector.broadcast %add3A : i32 to vector<512x768xi32>
    %add3A_5 = arith.addi %bitcast_convert_type3A, %add3A_4 : vector<512x768xi32>
    %slice3A = vector.extract_strided_slice %add3A_5 {offsets = [0, 0], sizes = [512, 384], strides = [1, 1]} : vector<512x768xi32> to vector<512x384xi32>
    %shift_right_logical3A = arith.constant 16 : i32
    %shift_right_logical3A_6 = vector.broadcast %shift_right_logical3A : i32 to vector<512x384xi32>
    %shift_right_logical3A_7 = arith.shrui %slice3A, %shift_right_logical3A_6 : vector<512x384xi32>
    %slice3A_8 = vector.extract_strided_slice %add3A_5 {offsets = [0, 384], sizes = [512, 384], strides = [1, 1]} : vector<512x768xi32> to vector<512x384xi32>
    %and3A = arith.constant -65536 : i32
    %and3A_9 = vector.broadcast %and3A : i32 to vector<512x384xi32>
    %and3A_10 = arith.andi %slice3A_8, %and3A_9 : vector<512x384xi32>
    %or3A = arith.ori %shift_right_logical3A_7, %and3A_10 : vector<512x384xi32>
    %bitcast_convert_type3A_11 = tpu.bitcast %or3A : vector<512x384xi32> -> vector<512x384xi32>
    %swap3A = arith.constant 0 : index
    %swap3A_12 = arith.constant 0 : index
    %swap3A_13 = vector.load %arg7[%swap3A, %swap3A_12] : memref<512x384xi32, #tpu.memory_space<vmem>>, vector<512x384xi32>
    tpu.vector_store %arg7[%swap3A, %swap3A_12], %bitcast_convert_type3A_11 {strides = array<i32>} : memref<512x384xi32, #tpu.memory_space<vmem>>, vector<512x384xi32>,
    %get3A_14 = arith.constant 0 : index
    %get3A_15 = arith.constant 0 : index
    %get3A_16 = vector.load %arg2[%get3A_14, %get3A_15] : memref<64x768xf32, #tpu.memory_space<vmem>>, vector<64x768xf32>
    %dot_general3A = arith.constant dense<0.000000e+00> : vector<64x512xf32>
    %dot_general3A_17 = tpu.matmul %get3A_16, %get3A_3, %dot_general3A {dimension_numbers = #tpu.dot_dimension_numbers<[1], [1], [0], [0], [0, 0, 1, 0], [], []>, transpose_lhs_hint = false} : vector<64x768xf32>, vector<512x768xf32>, vector<64x512xf32> -> vector<64x512xf32>
    %reduce_max3A = arith.constant dense<0xFF800000> : vector<512xf32>
    %reduce_max3A_18 = vector.multi_reduction <maximumf>, %dot_general3A_17, %reduce_max3A [0] : vector<64x512xf32> to vector<512xf32>
    %broadcast_in_dim3A = vector.shape_cast %reduce_max3A_18 : vector<512xf32> to vector<1x512xf32>
    %sub3A = vector.broadcast %broadcast_in_dim3A : vector<1x512xf32> to vector<64x512xf32>
    %sub3A_19 = arith.subf %dot_general3A_17, %sub3A : vector<64x512xf32>
    %exp3A = math.exp %sub3A_19 : vector<64x512xf32>
    %reduce_sum3A = arith.constant dense<0.000000e+00> : vector<512xf32>
    %reduce_sum3A_20 = vector.multi_reduction <add>, %exp3A, %reduce_sum3A [0] : vector<64x512xf32> to vector<512xf32>
    %broadcast_in_dim3A_21 = vector.shape_cast %reduce_sum3A_20 : vector<512xf32> to vector<1x512xf32>
    %div3A = arith.constant 1.000000e+00 : f32
    %div3A_22 = vector.broadcast %div3A : f32 to vector<1x512xf32>
    %div3A_23 = arith.divf %div3A_22, %broadcast_in_dim3A_21 : vector<1x512xf32>
    %iota3A = tpu.iota {dimensions = array<i32: 0>} : vector<64x512xi32>
    %eq3A_24 = vector.broadcast %broadcast_in_dim3A : vector<1x512xf32> to vector<64x512xf32>
    %eq3A_25 = arith.cmpf oeq, %dot_general3A_17, %eq3A_24 : vector<64x512xf32>
    %jit3A = arith.constant 64 : i32
    %broadcast_in_dim3A_26 = vector.broadcast %jit3A : i32 to vector<64x512xi32>
    %select_n3A = arith.select %eq3A_25, %iota3A, %broadcast_in_dim3A_26 : vector<64x512xi1>, vector<64x512xi32>
    %reduce_min3A = arith.constant dense<2147483647> : vector<512xi32>
    %reduce_min3A_27 = vector.multi_reduction <minsi>, %select_n3A, %reduce_min3A [0] : vector<64x512xi32> to vector<512xi32>
    %broadcast_in_dim3A_28 = vector.shape_cast %reduce_min3A_27 : vector<512xi32> to vector<1x512xi32>
    %eq3A_29 = vector.broadcast %broadcast_in_dim3A_28 : vector<1x512xi32> to vector<64x512xi32>
    %eq3A_30 = arith.cmpi eq, %iota3A, %eq3A_29 : vector<64x512xi32>
    %convert_element_type3A_31 = arith.extui %eq3A_30 : vector<64x512xi1> to vector<64x512xi32>
    %convert_element_type3A_32 = arith.sitofp %convert_element_type3A_31 : vector<64x512xi32> to vector<64x512xf32>
    %iota3A_33 = tpu.iota {dimensions = array<i32: 0>} : vector<512x512xi32>
    %iota3A_34 = tpu.iota {dimensions = array<i32: 1>} : vector<512x512xi32>
    %lt3A = arith.cmpi slt, %iota3A_33, %iota3A_34 : vector<512x512xi32>
    %convert_element_type3A_35 = arith.extui %lt3A : vector<512x512xi1> to vector<512x512xi32>
    %convert_element_type3A_36 = arith.sitofp %convert_element_type3A_35 : vector<512x512xi32> to vector<512x512xf32>
    %dot_general3A_37 = arith.constant dense<0.000000e+00> : vector<64x512xf32>
    %dot_general3A_38 = tpu.matmul %convert_element_type3A_32, %convert_element_type3A_36, %dot_general3A_37 {dimension_numbers = #tpu.dot_dimension_numbers<[1], [0], [0], [1], [0, 0, 1, 1], [], []>, transpose_lhs_hint = false} : vector<64x512xf32>, vector<512x512xf32>, vector<64x512xf32> -> vector<64x512xf32>
    %get3A_39 = arith.constant 0 : index
    %get3A_40 = arith.constant 0 : index
    %get3A_41 = vector.load %arg8[%get3A_39, %get3A_40] : memref<64x1xf32, #tpu.memory_space<vmem>>, vector<64x1xf32>
    %add3A_42 = vector.broadcast %get3A_41 : vector<64x1xf32> to vector<64x512xf32>
    %add3A_43 = arith.addf %dot_general3A_38, %add3A_42 : vector<64x512xf32>
    %mul3A = arith.mulf %add3A_43, %convert_element_type3A_32 : vector<64x512xf32>
    %reduce_sum3A_44 = arith.constant dense<0.000000e+00> : vector<512xf32>
    %reduce_sum3A_45 = vector.multi_reduction <add>, %mul3A, %reduce_sum3A_44 [0] : vector<64x512xf32> to vector<512xf32>
    %reshape3A = vector.shape_cast %broadcast_in_dim3A_28 : vector<1x512xi32> to vector<4x128xi32>
    %swap3A_46 = arith.constant 0 : index
    %swap3A_47 = arith.constant 0 : index
    %swap3A_48 = arith.constant 0 : index
    %swap3A_49 = vector.load %arg3[%swap3A_46, %swap3A_47, %swap3A_48] : memref<1x4x128xi32, #tpu.memory_space<vmem>>, vector<1x4x128xi32>
    %swap3A_50 = vector.shape_cast %swap3A_49 : vector<1x4x128xi32> to vector<4x128xi32>
    %swap3A_51 = vector.shape_cast %reshape3A : vector<4x128xi32> to vector<1x4x128xi32>
    tpu.vector_store %arg3[%swap3A_46, %swap3A_47, %swap3A_48], %swap3A_51 {strides = array<i32>} : memref<1x4x128xi32, #tpu.memory_space<vmem>>, vector<1x4x128xi32>,
    %squeeze3A = vector.shape_cast %div3A_23 : vector<1x512xf32> to vector<512xf32>
    %swap3A_52 = arith.constant 0 : index
    %swap3A_53 = arith.constant 0 : index
    %swap3A_54 = arith.constant 0 : index
    %swap3A_55 = vector.load %arg4[%swap3A_52, %swap3A_53, %swap3A_54] : memref<1x1x512xf32, #tpu.memory_space<vmem>>, vector<1x1x512xf32>
    %swap3A_56 = vector.shape_cast %swap3A_55 : vector<1x1x512xf32> to vector<512xf32>
    %swap3A_57 = vector.shape_cast %squeeze3A : vector<512xf32> to vector<1x1x512xf32>
    tpu.vector_store %arg4[%swap3A_52, %swap3A_53, %swap3A_54], %swap3A_57 {strides = array<i32>} : memref<1x1x512xf32, #tpu.memory_space<vmem>>, vector<1x1x512xf32>,
    %convert_element_type3A_58 = arith.fptosi %reduce_sum3A_45 : vector<512xf32> to vector<512xi32>
    %reshape3A_59 = vector.shape_cast %convert_element_type3A_58 : vector<512xi32> to vector<4x128xi32>
    %swap3A_60 = arith.constant 0 : index
    %swap3A_61 = arith.constant 0 : index
    %swap3A_62 = arith.constant 0 : index
    %swap3A_63 = vector.load %arg5[%swap3A_60, %swap3A_61, %swap3A_62] : memref<1x4x128xi32, #tpu.memory_space<vmem>>, vector<1x4x128xi32>
    %swap3A_64 = vector.shape_cast %swap3A_63 : vector<1x4x128xi32> to vector<4x128xi32>
    %swap3A_65 = vector.shape_cast %reshape3A_59 : vector<4x128xi32> to vector<1x4x128xi32>
    tpu.vector_store %arg5[%swap3A_60, %swap3A_61, %swap3A_62], %swap3A_65 {strides = array<i32>} : memref<1x4x128xi32, #tpu.memory_space<vmem>>, vector<1x4x128xi32>,
    %get3A_66 = arith.constant 0 : index
    %get3A_67 = arith.constant 0 : index
    %get3A_68 = vector.load %arg8[%get3A_66, %get3A_67] : memref<64x1xf32, #tpu.memory_space<vmem>>, vector<64x1xf32>
    %reduce_sum3A_69 = arith.constant dense<0.000000e+00> : vector<64xf32>
    %reduce_sum3A_70 = vector.multi_reduction <add>, %convert_element_type3A_32, %reduce_sum3A_69 [1] : vector<64x512xf32> to vector<64xf32>
    %broadcast_in_dim3A_71 = vector.shape_cast %reduce_sum3A_70 : vector<64xf32> to vector<64x1xf32>
    %add3A_72 = arith.addf %get3A_68, %broadcast_in_dim3A_71 : vector<64x1xf32>
    %swap3A_73 = arith.constant 0 : index
    %swap3A_74 = arith.constant 0 : index
    %swap3A_75 = vector.load %arg8[%swap3A_73, %swap3A_74] : memref<64x1xf32, #tpu.memory_space<vmem>>, vector<64x1xf32>
    tpu.vector_store %arg8[%swap3A_73, %swap3A_74], %add3A_72 {strides = array<i32>} : memref<64x1xf32, #tpu.memory_space<vmem>>, vector<64x1xf32>,
    %get3A_76 = arith.constant 0 : index
    %get3A_77 = arith.constant 0 : index
    %get3A_78 = vector.load %arg8[%get3A_76, %get3A_77] : memref<64x1xf32, #tpu.memory_space<vmem>>, vector<64x1xf32>
    %swap3A_79 = arith.constant 0 : index
    %swap3A_80 = arith.constant 0 : index
    %swap3A_81 = vector.load %arg6[%swap3A_79, %swap3A_80] : memref<64x1xf32, #tpu.memory_space<vmem>>, vector<64x1xf32>
    tpu.vector_store %arg6[%swap3A_79, %swap3A_80], %get3A_78 {strides = array<i32>} : memref<64x1xf32, #tpu.memory_space<vmem>>, vector<64x1xf32>,
    return
  }
  func.func @transform_0(%arg0: i32) -> (i32, i32) {
    %c0_i32 = arith.constant 0 : i32
    %c0_i32_0 = arith.constant 0 : i32
    return %arg0, %c0_i32 : i32, i32
  }
  func.func @transform_1(%arg0: i32) -> (i32, i32) {
    %c0_i32 = arith.constant 0 : i32
    %c0_i32_0 = arith.constant 0 : i32
    %c0_i32_1 = arith.constant 0 : i32
    return %c0_i32, %c0_i32_0 : i32, i32
  }
  func.func @transform_2(%arg0: i32) -> (i32, i32, i32) {
    %c0_i32 = arith.constant 0 : i32
    %c0_i32_0 = arith.constant 0 : i32
    %c0_i32_1 = arith.constant 0 : i32
    return %arg0, %c0_i32, %c0_i32_0 : i32, i32, i32
  }
  func.func @transform_3(%arg0: i32) -> (i32, i32, i32) {
    %c0_i32 = arith.constant 0 : i32
    %c0_i32_0 = arith.constant 0 : i32
    %c0_i32_1 = arith.constant 0 : i32
    return %arg0, %c0_i32, %c0_i32_0 : i32, i32, i32
  }
  func.func @transform_4(%arg0: i32) -> (i32, i32, i32) {
    %c0_i32 = arith.constant 0 : i32
    %c0_i32_0 = arith.constant 0 : i32
    %c0_i32_1 = arith.constant 0 : i32
    return %arg0, %c0_i32, %c0_i32_0 : i32, i32, i32
  }
  func.func @transform_5(%arg0: i32) -> (i32, i32) {
    %c0_i32 = arith.constant 0 : i32
    %c0_i32_0 = arith.constant 0 : i32
    %c0_i32_1 = arith.constant 0 : i32
    return %c0_i32, %c0_i32_0 : i32, i32
  }
  func.func @transform_6(%arg0: i32) -> (i32, i32) {
    %c0_i32 = arith.constant 0 : i32
    %c0_i32_0 = arith.constant 0 : i32
    return %arg0, %c0_i32 : i32, i32
  }
}

module attributes {stable_mosaic.version = 14 : i64} {
  func.func @_scale_body(%arg0: i32, %arg1: memref<512x384xi32, #tpu.memory_space<vmem>>, %arg2: memref<1x1x512xf32, #tpu.memory_space<vmem>>, %arg3: memref<512x768xf32, #tpu.memory_space<vmem>>) attributes {dimension_semantics = [#tpu.dimension_semantics<arbitrary>], iteration_bounds = array<i64: 16>, scalar_prefetch = 0 : i64, scratch_operands = 0 : i64, tpu.core_type = #tpu.core_type<tc>, window_params = [{transform_indices = @transform_0, window_bounds = array<i64: 512, 384>}, {transform_indices = @transform_1, window_bounds = array<i64: 1, 1, 512>}, {transform_indices = @transform_2, window_bounds = array<i64: 512, 768>}]} {
    %get3A = arith.constant 0 : index
    %get3A_0 = arith.constant 0 : index
    %get3A_1 = arith.constant 0 : index
    %get3A_2 = vector.load %arg2[%get3A, %get3A_0, %get3A_1] : memref<1x1x512xf32, #tpu.memory_space<vmem>>, vector<1x1x512xf32>
    %get3A_3 = vector.shape_cast %get3A_2 : vector<1x1x512xf32> to vector<512xf32>
    %reshape3A = vector.shape_cast %get3A_3 : vector<512xf32> to vector<512x1xf32>
    %get3A_4 = arith.constant 0 : index
    %get3A_5 = arith.constant 0 : index
    %get3A_6 = vector.load %arg1[%get3A_4, %get3A_5] : memref<512x384xi32, #tpu.memory_space<vmem>>, vector<512x384xi32>
    %bitcast_convert_type3A = tpu.bitcast %get3A_6 : vector<512x384xi32> -> vector<512x384xi32>
    %shift_left3A = arith.constant 16 : i32
    %shift_left3A_7 = vector.broadcast %shift_left3A : i32 to vector<512x384xi32>
    %shift_left3A_8 = arith.shli %bitcast_convert_type3A, %shift_left3A_7 : vector<512x384xi32>
    %bitcast_convert_type3A_9 = tpu.bitcast %shift_left3A_8 : vector<512x384xi32> -> vector<512x384xf32>
    %and3A = arith.constant -65536 : i32
    %and3A_10 = vector.broadcast %and3A : i32 to vector<512x384xi32>
    %and3A_11 = arith.andi %bitcast_convert_type3A, %and3A_10 : vector<512x384xi32>
    %bitcast_convert_type3A_12 = tpu.bitcast %and3A_11 : vector<512x384xi32> -> vector<512x384xf32>
    %concatenate3A = tpu.concatenate %bitcast_convert_type3A_9, %bitcast_convert_type3A_12 in 1 : vector<512x384xf32>, vector<512x384xf32> -> vector<512x768xf32>
    %mul3A = vector.broadcast %reshape3A : vector<512x1xf32> to vector<512x768xf32>
    %mul3A_13 = arith.mulf %concatenate3A, %mul3A : vector<512x768xf32>
    %swap3A = arith.constant 0 : index
    %swap3A_14 = arith.constant 0 : index
    %swap3A_15 = vector.load %arg3[%swap3A, %swap3A_14] : memref<512x768xf32, #tpu.memory_space<vmem>>, vector<512x768xf32>
    tpu.vector_store %arg3[%swap3A, %swap3A_14], %mul3A_13 {strides = array<i32>} : memref<512x768xf32, #tpu.memory_space<vmem>>, vector<512x768xf32>,
    return
  }
  func.func @transform_0(%arg0: i32) -> (i32, i32) {
    %c0_i32 = arith.constant 0 : i32
    %c0_i32_0 = arith.constant 0 : i32
    return %arg0, %c0_i32 : i32, i32
  }
  func.func @transform_1(%arg0: i32) -> (i32, i32, i32) {
    %c0_i32 = arith.constant 0 : i32
    %c0_i32_0 = arith.constant 0 : i32
    %c0_i32_1 = arith.constant 0 : i32
    return %arg0, %c0_i32, %c0_i32_0 : i32, i32, i32
  }
  func.func @transform_2(%arg0: i32) -> (i32, i32) {
    %c0_i32 = arith.constant 0 : i32
    %c0_i32_0 = arith.constant 0 : i32
    return %arg0, %c0_i32 : i32, i32
  }
}

module attributes {stable_mosaic.version = 14 : i64} {
  func.func @_ffn_body(%arg0: i32, %arg1: memref<96xi32, #tpu.memory_space<smem>>, %arg2: memref<96xi32, #tpu.memory_space<smem>>, %arg3: memref<96xi32, #tpu.memory_space<smem>>, %arg4: memref<256x384xi32, #tpu.memory_space<vmem>>, %arg5: memref<1x768x768xf32, #tpu.memory_space<vmem>>, %arg6: memref<1x1x768xf32, #tpu.memory_space<vmem>>, %arg7: memref<1x768x768xf32, #tpu.memory_space<vmem>>, %arg8: memref<1x1x768xf32, #tpu.memory_space<vmem>>, %arg9: memref<256x384xi32, #tpu.memory_space<vmem>>) attributes {dimension_semantics = [#tpu.dimension_semantics<arbitrary>], iteration_bounds = array<i64: 96>, scalar_prefetch = 3 : i64, scratch_operands = 0 : i64, tpu.core_type = #tpu.core_type<tc>, window_params = [{transform_indices = @transform_0, window_bounds = array<i64: 256, 384>}, {transform_indices = @transform_1, window_bounds = array<i64: 1, 768, 768>}, {transform_indices = @transform_2, window_bounds = array<i64: 1, 1, 768>}, {transform_indices = @transform_3, window_bounds = array<i64: 1, 768, 768>}, {transform_indices = @transform_4, window_bounds = array<i64: 1, 1, 768>}, {transform_indices = @transform_5, window_bounds = array<i64: 256, 384>}]} {
    %get3A = arith.index_cast %arg0 : i32 to index
    %get3A_0 = memref.load %arg2[%get3A] : memref<96xi32, #tpu.memory_space<smem>>
    %eq3A = arith.constant 1 : i32
    %eq3A_1 = arith.cmpi eq, %get3A_0, %eq3A : i32
    %convert_element_type3A = arith.extui %eq3A_1 : i1 to i32
    %cond3A = arith.constant 0 : i32
    %cond3A_2 = arith.cmpi ne, %convert_element_type3A, %cond3A : i32
    scf.if %cond3A_2 {
      %get3A_3 = arith.constant 0 : index
      %get3A_4 = arith.constant 0 : index
      %get3A_5 = vector.load %arg4[%get3A_3, %get3A_4] : memref<256x384xi32, #tpu.memory_space<vmem>>, vector<256x384xi32>
      %bitcast_convert_type3A = tpu.bitcast %get3A_5 : vector<256x384xi32> -> vector<256x384xi32>
      %shift_left3A = arith.constant 16 : i32
      %shift_left3A_6 = vector.broadcast %shift_left3A : i32 to vector<256x384xi32>
      %shift_left3A_7 = arith.shli %bitcast_convert_type3A, %shift_left3A_6 : vector<256x384xi32>
      %bitcast_convert_type3A_8 = tpu.bitcast %shift_left3A_7 : vector<256x384xi32> -> vector<256x384xf32>
      %and3A = arith.constant -65536 : i32
      %and3A_9 = vector.broadcast %and3A : i32 to vector<256x384xi32>
      %and3A_10 = arith.andi %bitcast_convert_type3A, %and3A_9 : vector<256x384xi32>
      %bitcast_convert_type3A_11 = tpu.bitcast %and3A_10 : vector<256x384xi32> -> vector<256x384xf32>
      %concatenate3A = tpu.concatenate %bitcast_convert_type3A_8, %bitcast_convert_type3A_11 in 1 : vector<256x384xf32>, vector<256x384xf32> -> vector<256x768xf32>
      %get3A_12 = arith.constant 0 : index
      %get3A_13 = arith.constant 0 : index
      %get3A_14 = arith.constant 0 : index
      %get3A_15 = vector.load %arg5[%get3A_12, %get3A_13, %get3A_14] : memref<1x768x768xf32, #tpu.memory_space<vmem>>, vector<1x768x768xf32>
      %get3A_16 = vector.shape_cast %get3A_15 : vector<1x768x768xf32> to vector<768x768xf32>
      %dot_general3A = arith.constant dense<0.000000e+00> : vector<256x768xf32>
      %dot_general3A_17 = tpu.matmul %concatenate3A, %get3A_16, %dot_general3A {dimension_numbers = #tpu.dot_dimension_numbers<[1], [0], [0], [1], [0, 0, 1, 1], [], []>, transpose_lhs_hint = false} : vector<256x768xf32>, vector<768x768xf32>, vector<256x768xf32> -> vector<256x768xf32>
      %get3A_18 = arith.constant 0 : index
      %get3A_19 = arith.constant 0 : index
      %get3A_20 = arith.constant 0 : index
      %get3A_21 = vector.load %arg6[%get3A_18, %get3A_19, %get3A_20] : memref<1x1x768xf32, #tpu.memory_space<vmem>>, vector<1x1x768xf32>
      %get3A_22 = vector.shape_cast %get3A_21 : vector<1x1x768xf32> to vector<1x768xf32>
      %add3A = vector.broadcast %get3A_22 : vector<1x768xf32> to vector<256x768xf32>
      %add3A_23 = arith.addf %dot_general3A_17, %add3A : vector<256x768xf32>
      %max3A = arith.constant 0.000000e+00 : f32
      %max3A_24 = vector.broadcast %max3A : f32 to vector<256x768xf32>
      %max3A_25 = arith.maximumf %add3A_23, %max3A_24 : vector<256x768xf32>
      %get3A_26 = arith.constant 0 : index
      %get3A_27 = arith.constant 0 : index
      %get3A_28 = arith.constant 0 : index
      %get3A_29 = vector.load %arg7[%get3A_26, %get3A_27, %get3A_28] : memref<1x768x768xf32, #tpu.memory_space<vmem>>, vector<1x768x768xf32>
      %get3A_30 = vector.shape_cast %get3A_29 : vector<1x768x768xf32> to vector<768x768xf32>
      %dot_general3A_31 = arith.constant dense<0.000000e+00> : vector<256x768xf32>
      %dot_general3A_32 = tpu.matmul %max3A_25, %get3A_30, %dot_general3A_31 {dimension_numbers = #tpu.dot_dimension_numbers<[1], [0], [0], [1], [0, 0, 1, 1], [], []>, transpose_lhs_hint = false} : vector<256x768xf32>, vector<768x768xf32>, vector<256x768xf32> -> vector<256x768xf32>
      %get3A_33 = arith.constant 0 : index
      %get3A_34 = arith.constant 0 : index
      %get3A_35 = arith.constant 0 : index
      %get3A_36 = vector.load %arg8[%get3A_33, %get3A_34, %get3A_35] : memref<1x1x768xf32, #tpu.memory_space<vmem>>, vector<1x1x768xf32>
      %get3A_37 = vector.shape_cast %get3A_36 : vector<1x1x768xf32> to vector<1x768xf32>
      %add3A_38 = vector.broadcast %get3A_37 : vector<1x768xf32> to vector<256x768xf32>
      %add3A_39 = arith.addf %dot_general3A_32, %add3A_38 : vector<256x768xf32>
      %bitcast_convert_type3A_40 = tpu.bitcast %add3A_39 : vector<256x768xf32> -> vector<256x768xi32>
      %add3A_41 = arith.constant 32768 : i32
      %add3A_42 = vector.broadcast %add3A_41 : i32 to vector<256x768xi32>
      %add3A_43 = arith.addi %bitcast_convert_type3A_40, %add3A_42 : vector<256x768xi32>
      %slice3A = vector.extract_strided_slice %add3A_43 {offsets = [0, 0], sizes = [256, 384], strides = [1, 1]} : vector<256x768xi32> to vector<256x384xi32>
      %shift_right_logical3A = arith.constant 16 : i32
      %shift_right_logical3A_44 = vector.broadcast %shift_right_logical3A : i32 to vector<256x384xi32>
      %shift_right_logical3A_45 = arith.shrui %slice3A, %shift_right_logical3A_44 : vector<256x384xi32>
      %slice3A_46 = vector.extract_strided_slice %add3A_43 {offsets = [0, 384], sizes = [256, 384], strides = [1, 1]} : vector<256x768xi32> to vector<256x384xi32>
      %and3A_47 = arith.constant -65536 : i32
      %and3A_48 = vector.broadcast %and3A_47 : i32 to vector<256x384xi32>
      %and3A_49 = arith.andi %slice3A_46, %and3A_48 : vector<256x384xi32>
      %or3A = arith.ori %shift_right_logical3A_45, %and3A_49 : vector<256x384xi32>
      %bitcast_convert_type3A_50 = tpu.bitcast %or3A : vector<256x384xi32> -> vector<256x384xi32>
      %swap3A = arith.constant 0 : index
      %swap3A_51 = arith.constant 0 : index
      %swap3A_52 = vector.load %arg9[%swap3A, %swap3A_51] : memref<256x384xi32, #tpu.memory_space<vmem>>, vector<256x384xi32>
      tpu.vector_store %arg9[%swap3A, %swap3A_51], %bitcast_convert_type3A_50 {strides = array<i32>} : memref<256x384xi32, #tpu.memory_space<vmem>>, vector<256x384xi32>,
    } else {
    }
    return
  }
  func.func @transform_0(%arg0: i32, %arg1: memref<96xi32, #tpu.memory_space<smem>>, %arg2: memref<96xi32, #tpu.memory_space<smem>>, %arg3: memref<96xi32, #tpu.memory_space<smem>>) -> (i32, i32) {
    %get3A = arith.index_cast %arg0 : i32 to index
    %get3A_0 = memref.load %arg3[%get3A] : memref<96xi32, #tpu.memory_space<smem>>
    %c0_i32 = arith.constant 0 : i32
    %c0_i32_1 = arith.constant 0 : i32
    return %get3A_0, %c0_i32 : i32, i32
  }
  func.func @transform_1(%arg0: i32, %arg1: memref<96xi32, #tpu.memory_space<smem>>, %arg2: memref<96xi32, #tpu.memory_space<smem>>, %arg3: memref<96xi32, #tpu.memory_space<smem>>) -> (i32, i32, i32) {
    %get3A = arith.index_cast %arg0 : i32 to index
    %get3A_0 = memref.load %arg1[%get3A] : memref<96xi32, #tpu.memory_space<smem>>
    %c0_i32 = arith.constant 0 : i32
    %c0_i32_1 = arith.constant 0 : i32
    %c0_i32_2 = arith.constant 0 : i32
    return %get3A_0, %c0_i32, %c0_i32_1 : i32, i32, i32
  }
  func.func @transform_2(%arg0: i32, %arg1: memref<96xi32, #tpu.memory_space<smem>>, %arg2: memref<96xi32, #tpu.memory_space<smem>>, %arg3: memref<96xi32, #tpu.memory_space<smem>>) -> (i32, i32, i32) {
    %get3A = arith.index_cast %arg0 : i32 to index
    %get3A_0 = memref.load %arg1[%get3A] : memref<96xi32, #tpu.memory_space<smem>>
    %c0_i32 = arith.constant 0 : i32
    %c0_i32_1 = arith.constant 0 : i32
    %c0_i32_2 = arith.constant 0 : i32
    return %get3A_0, %c0_i32, %c0_i32_1 : i32, i32, i32
  }
  func.func @transform_3(%arg0: i32, %arg1: memref<96xi32, #tpu.memory_space<smem>>, %arg2: memref<96xi32, #tpu.memory_space<smem>>, %arg3: memref<96xi32, #tpu.memory_space<smem>>) -> (i32, i32, i32) {
    %get3A = arith.index_cast %arg0 : i32 to index
    %get3A_0 = memref.load %arg1[%get3A] : memref<96xi32, #tpu.memory_space<smem>>
    %c0_i32 = arith.constant 0 : i32
    %c0_i32_1 = arith.constant 0 : i32
    %c0_i32_2 = arith.constant 0 : i32
    return %get3A_0, %c0_i32, %c0_i32_1 : i32, i32, i32
  }
  func.func @transform_4(%arg0: i32, %arg1: memref<96xi32, #tpu.memory_space<smem>>, %arg2: memref<96xi32, #tpu.memory_space<smem>>, %arg3: memref<96xi32, #tpu.memory_space<smem>>) -> (i32, i32, i32) {
    %get3A = arith.index_cast %arg0 : i32 to index
    %get3A_0 = memref.load %arg1[%get3A] : memref<96xi32, #tpu.memory_space<smem>>
    %c0_i32 = arith.constant 0 : i32
    %c0_i32_1 = arith.constant 0 : i32
    %c0_i32_2 = arith.constant 0 : i32
    return %get3A_0, %c0_i32, %c0_i32_1 : i32, i32, i32
  }
  func.func @transform_5(%arg0: i32, %arg1: memref<96xi32, #tpu.memory_space<smem>>, %arg2: memref<96xi32, #tpu.memory_space<smem>>, %arg3: memref<96xi32, #tpu.memory_space<smem>>) -> (i32, i32) {
    %get3A = arith.index_cast %arg0 : i32 to index
    %get3A_0 = memref.load %arg3[%get3A] : memref<96xi32, #tpu.memory_space<smem>>
    %c0_i32 = arith.constant 0 : i32
    %c0_i32_1 = arith.constant 0 : i32
    return %get3A_0, %c0_i32 : i32, i32
  }
}

</mosaic_0001>

<sc_bundles>
// kernel: kernel.10.cloned.1.call-start
scs
__scs_entry_jumppad:
0x0: {  	(pc) =	sbr.rel $0x88, $3  }
0x1: {  	(tag) =	ssettag $0x0;
	lr =	simm.s32 $0x1  }
0x2: {  	[smem:$0x3F9B] =	sst lr;
	_ =	strace $0xD0000000  }
0x3: {  	_ = 	snop  }
0x4: {  	_ = 	snop  }
0x5: {  	_ = 	snop  }
0x6: {  	_ = 	snop  }
0x7: {  	_ = 	snop  }
__scs_overlays_trampoline_lowered:
0x8: {  	[smem:$0x3FAA] =	sst s0  }
0x9: {  	[smem:$0x3FAB] =	sst s1  }
0xa: {  	[smem:$0x3FAC] =	sst s2  }
0xb: {  	[smem:$0x3FAD] =	sst s3  }
0xc: {  	[smem:$0x3FAE] =	sst s4  }
0xd: {  	[smem:$0x3FAF] =	sst s5  }
0xe: {  	[smem:$0x3FB0] =	sst s6  }
0xf: {  	[smem:$0x3FB1] =	sst s7  }
0x10: {  	[smem:$0x3FB2] =	sst s8  }
0x11: {  	[smem:$0x3FB3] =	sst s9;
	s0 =	simm.s32 @!p0 $0x0  }
0x12: {  	s1 =	sld [smem:$0x3F99];
	s0 =	simm.s32 @p0 $0x1  }
0x13: {  	[smem:$0x3FB4] =	sst s0;
	s0 =	simm.s32 @!p1 $0x0  }
0x14: {  	s2 =	sld [smem:$0x3F98];
	s0 =	simm.s32 @p1 $0x1  }
0x15: {  	[smem:$0x3FB5] =	sst s0;
	s0 =	simm.s32 @!p2 $0x0  }
0x16: {  	s3 =	sld [smem:$0x3FDB];
	s0 =	simm.s32 @p2 $0x1  }
0x17: {  	s4 =	simm.s32 $0x1BF5;
	[smem:$0x3FB7] =	sst s0  }
0x18: {  	s0 =	sld [smem:$0x3F9A];
	_ =	swait.ge [sflag:s4], $0x0  }
0x19: {  	s7 =	sld [smem:$0x3F9B]  }
0x1a: {  	s8 =	sadd.s32 $0xFFFFE003, lr  }
0x1b: {  	s9 =	sadd.s32 $0xFFFFFEF7, lr;
	s5 =	simm.s32 $0xFFFFFFFF;
	p2 =	slt.u32 s8, $0xFFFFF086  }
0x1c: {  	p1 =	slt.u32 s9, $0xF7A;
	s5 =	simm.s32 @!p2 $0x0  }
0x1d: {  	s5 =	simm.s32 @p1 $0x1;
	p0 =	seq.s32 s7, s2  }
0x1e: {  	s7 =	smul.u32 @!p0 $0xF7A, s2;
	p2 =	seq.s32 @!p0 s5, $0x0  }
0x1f: {  	s9 =	smul.u32 $0xF7A, s1;
	s8 =	simm.s32 @!p0 $0x1BF5;
	p2 =	por !p2, p0  }
0x20: {  	[sflag:s8] =	ssyncset.s32 @!p0 $0xFFFFF086;
	s6 =	sadd.s32 @!p0 s3, s7;
	s7 =	simm.s32 @!p0 $0x108  }
0x21: {  	s3 =	sadd.s32 s3, s9;
	s6 =	sadd.s32 @!p0 $0x88, s6;
	s7 =	simm.s32 @p2 $0x1082  }
0x22: {  	[simem:s7], [sflag:s8] =	dma.local @!p0 [hbm:s6], $0xF7A  }
0x23: {  	s9 =	sor.u32 $0xD0000000, s2;
	s6 =	simm.s32 $0x108;
	_ =	swait.ge @!p0 [sflag:s8], $0x0  }
0x24: {  	s3 =	sadd.s32 $0x88, s3;
	s6 =	simm.s32 @!p1 $0x1082;
	[sflag:s4] =	ssyncset.s32 $0xFFFFF086  }
0x25: {  	[simem:s6], [sflag:s4] =	dma.local [hbm:s3], $0xF7A  }
0x26: {  	[smem:$0x3F9B] =	sst s1;
	(tag) =	ssettag s2;
	_ =	strace s9  }
0x27: {  	s1 =	sld [smem:$0x3FAB]  }
0x28: {  	s2 =	sld [smem:$0x3FAC]  }
0x29: {  	s4 =	sld [smem:$0x3FAE]  }
0x2a: {  	p0 =	seq.s32 s5, $0x0;
	s5 =	sld [smem:$0x3FAF]  }
0x2b: {  	s6 =	sld [smem:$0x3FB0]  }
0x2c: {  	s7 =	sld [smem:$0x3FB1]  }
0x2d: {  	s3 =	simm.s32 $0x108;
	s8 =	sld [smem:$0x3FB2]  }
0x2e: {  	s3 =	simm.s32 @!p0 $0x1082;
	s9 =	sld [smem:$0x3FB3]  }
0x2f: {  	lr =	sadd.s32 s0, s3;
	s0 =	sld [smem:$0x3FAA]  }
0x30: {  	s3 =	sld [smem:$0x3FAD]  }
0x31: {  	[smem:$0x3FB6] =	sst s10  }
0x32: {  	s10 =	sld [smem:$0x3FB4];
	_ =	sdelay $0x3  }
0x33: {  	p0 =	seq.s32 s10, $0x1;
	s10 =	sld [smem:$0x3FB6];
	_ =	sdelay $0x3  }
0x34: {  	[smem:$0x3FB6] =	sst s10  }
0x35: {  	s10 =	sld [smem:$0x3FB5];
	_ =	sdelay $0x3  }
0x36: {  	p1 =	seq.s32 s10, $0x1;
	s10 =	sld [smem:$0x3FB6];
	_ =	sdelay $0x3  }
0x37: {  	[smem:$0x3FB6] =	sst s10  }
0x38: {  	s10 =	sld [smem:$0x3FB7]  }
0x39: {  	_ = 	snop;
	(pc) =	sbr.ind lr, $3  }
0x3a: {  	_ = 	snop  }
0x3b: {  	_ = 	snop  }
0x3c: {  	p2 =	seq.s32 s10, $0x1;
	s10 =	sld [smem:$0x3FB6]  }
0x3d: {  	_ =	shalt  }
0x3e: {  	_ =	shalt  }
0x3f: {  	_ =	shalt  }
0x40: {  	_ =	shalt  }
0x41: {  	_ =	shalt  }
0x42: {  	_ =	shalt  }
0x43: {  	_ =	shalt  }
0x44: {  	_ =	shalt  }
0x45: {  	_ =	shalt  }
0x46: {  	_ =	shalt  }
0x47: {  	_ =	shalt  }
0x48: {  	_ =	shalt  }
0x49: {  	_ =	shalt  }
0x4a: {  	_ =	shalt  }
0x4b: {  	_ =	shalt  }
0x4c: {  	_ =	shalt  }
0x4d: {  	_ =	shalt  }
0x4e: {  	_ =	shalt  }
0x4f: {  	_ =	shalt  }
0x50: {  	_ =	shalt  }
0x51: {  	_ =	shalt  }
0x52: {  	_ =	shalt  }
0x53: {  	_ =	shalt  }
0x54: {  	_ =	shalt  }
0x55: {  	_ =	shalt  }
0x56: {  	_ =	shalt  }
0x57: {  	_ =	shalt  }
0x58: {  	_ =	shalt  }
0x59: {  	_ =	shalt  }
0x5a: {  	_ =	shalt  }
0x5b: {  	_ =	shalt  }
0x5c: {  	_ =	shalt  }
0x5d: {  	_ =	shalt  }
0x5e: {  	_ =	shalt  }
0x5f: {  	_ =	shalt  }
0x60: {  	_ =	shalt  }
0x61: {  	_ =	shalt  }
0x62: {  	_ =	shalt  }
0x63: {  	_ =	shalt  }
0x64: {  	_ =	shalt  }
0x65: {  	_ =	shalt  }
0x66: {  	_ =	shalt  }
0x67: {  	_ =	shalt  }
0x68: {  	_ =	shalt  }
0x69: {  	_ =	shalt  }
0x6a: {  	_ =	shalt  }
0x6b: {  	_ =	shalt  }
0x6c: {  	_ =	shalt  }
0x6d: {  	_ =	shalt  }
0x6e: {  	_ =	shalt  }
0x6f: {  	_ =	shalt  }
0x70: {  	_ =	shalt  }
0x71: {  	_ =	shalt  }
0x72: {  	_ =	shalt  }
0x73: {  	_ =	shalt  }
0x74: {  	_ =	shalt  }
0x75: {  	_ =	shalt  }
0x76: {  	_ =	shalt  }
0x77: {  	_ =	shalt  }
0x78: {  	_ =	shalt  }
0x79: {  	_ =	shalt  }
0x7a: {  	_ =	shalt  }
0x7b: {  	_ =	shalt  }
0x7c: {  	_ =	shalt  }
0x7d: {  	_ =	shalt  }
0x7e: {  	_ =	shalt  }
0x7f: {  	_ =	shalt  }
0x80: {  	_ =	shalt  }
0x81: {  	_ =	shalt  }
0x82: {  	_ =	shalt  }
0x83: {  	_ =	shalt  }
0x84: {  	_ =	shalt  }
0x85: {  	_ =	shalt  }
0x86: {  	_ =	shalt  }
0x87: {  	_ =	shalt  }
.Lfunc_end0:
.L_simem_size_0:
called_computation.1_lowered:
.L_overlay_start_0:
0x88: {  	s2 =	sld [smem:$0x3FD9]  }
0x89: {  	s3 =	sld [smem:$0x3FFE];
	_ =	sdelay $0x1  }
0x8a: {  	s1 =	srdreg.scid  }
0x8b: {  	s0 =	sand.u32 $0x1, s1  }
0x8c: {  	s17 =	sshll.u32 s0, $0xA;
	s2 =	sadd.s32 s3, s2  }
0x8d: {  	s2 =	sadd.s32 s2, s17  }
0x8e: {  	[smem:$0x3FC2] =	sst s2  }
0x8f: {  	_ = 	snop  }
0x90: {  	s2 =	sld [smem:$0x3FD0];
	(tm) =	ssettm $0x1  }
0x91: {  	s18 =	sld [smem:$0x3FFB];
	_ =	sdelay $0x3  }
0x92: {  	_ =	strace s18  }
0x93: {  	s3 =	sld [smem:$0x3FFC];
	_ =	sdelay $0x3  }
0x94: {  	_ =	strace s3  }
0x95: {  	s3 =	sld [smem:$0x3FFD];
	_ =	sdelay $0x3  }
0x96: {  	_ =	strace s3  }
0x97: {  	_ =	strace $0x8FFFFFFF  }
0x98: {  	s19 =	sld [smem:$0x3FDB];
	_ =	sdelay $0x1  }
0x99: {  	s4 =	simm.s32 $_scs_section_size  }
0x9a: {  	s5 =	simm.s32 $_size__tile_overlayer_lowered;
	s6 =	simm.s32 $_tile_overlayer_lowered  }
0x9b: {  	s22 =	simm.s32 $0x1BFF;
	s21 =	sshll.u32 s6, $0x1;
	s3 =	sadd.s32 s4, s19  }
0x9c: {  	s7 =	simm.s32 $0x0;
	s20 =	sshll.u32 s5, $0x1;
	s5 =	sadd.s32 s21, s3  }
0x9d: {  	[timem:s7], [sflag:s22] =	dma.local [hbm:s5], s20  }
0x9e: {  	_ =	swait.ge [sflag:s22], s20  }
0x9f: {  	s4 =	ssub.s32 $0x0, s20;
	[sflag:s22] =	ssyncset.done $0x0  }
0xa0: {  	[sflag:s22] =	ssyncadd.s32 s4;
	_ =	sdelay $0x1  }
0xa1: {  	s23 =	simm.s32 $0x1B8B  }
0xa2: {  	_ =	swait.ge [sflag:s23], $0x1  }
0xa3: {  	[sflag:s23] =	ssyncset.done $0x0  }
0xa4: {  	s25 =	simm.s32 $0x1B8E;
	s24 =	sld [smem:$0x3FFE];
	[sflag:s23] =	ssyncadd.s32 $0xFFFFFFFF  }
0xa5: {  	s26 =	simm.s32 $execute0_lowered;
	[smem:$0x3FD2] =	sst s25  }
0xa6: {  	s5 =	sshll.u32 s26, $0x1;
	_ =	strace $0x80000049;
	[dreg:$0x1] =	wrdreg $0xFFFFFFFF  }
0xa7: {  	s28 =	simm.s32 $_size_execute0_lowered;
	s3 =	sadd.s32 s3, s5;
	[dreg:$0x0] =	wrdreg $0x0  }
0xa8: {  	s5 =	sshll.u32 s28, $0x1;
	[dreg:$0x2] =	wrdreg s3  }
0xa9: {  	[dreg:$0x3] =	wrdreg s5  }
0xaa: {  	[dreg:$0x4] =	wrdreg $0xC0  }
0xab: {  	_ =	task [dreg:s7], $0x5FFFF  }
0xac: {  	[dreg:$0x1] =	wrdreg $0xFFFFFFFF  }
0xad: {  	[dreg:$0x0] =	wrdreg $0x60  }
0xae: {  	[dreg:$0x2] =	wrdreg s24  }
0xaf: {  	[dreg:$0x3] =	wrdreg s2  }
0xb0: {  	[dreg:$0x4] =	wrdreg $0x9  }
0xb1: {  	_ =	task.clear_ibuf [dreg:s7], $0x5FFFF;
	_ =	strace $0x90000049  }
0xb2: {  	s29 =	simm.s32 $0x9;
	_ =	strace $0x8000004B  }
0xb3: {  	_ =	swait.ge [sflag:s29], $0x1  }
0xb4: {  	[sflag:s29] =	ssyncadd.s32 $0xFFFFFFFF  }
0xb5: {  	_ =	strace $0x9000004B  }
0xb6: {  	_ =	sfence  }
0xb7: {  	s30 =	sld [smem:$0x0];
	_ =	sdelay $0x2  }
0xb8: {  	s31 =	sshll.u32 s1, $0xD;
	s1 =	sshrl.u32 s1, $0x2  }
0xb9: {  	s3 =	sand.u32 $0x4000, s31;
	s1 =	sadd.s32 s1, s30  }
0xba: {  	s0 =	sor.u32 s3, s0;
	s1 =	sshll.u32 s1, $0x11  }
0xbb: {  	s0 =	sor.u32 s1, s0  }
0xbc: {  	s0 =	sadd.s32 $0x8F2B, s0  }
0xbd: {  	[sflag:s0] =	ssyncadd.remote.s32 $0x1  }
0xbe: {  	_ =	sfence.sel $0xFFFF  }
0xbf: {  	[dreg:$0x0] =	wrdreg $0xFFFFFFFF;
	(pc) =	sbr.abs _section_cstart, $3  }
0xc0: {  	[dreg:$0x1] =	wrdreg $0xFFFFFFFF  }
0xc1: {  	_ =	task.clear_ibuf [dreg:s7], $0x2FFFF;
	_ =	strace $0x9FFFFFFF  }
0xc2: {  	(tm) =	ssettm $0x7FFFFFFF  }
0xc3: {  	_ =	shalt  }
tec
execute0_lowered:
.L_overlay_start_1:
0x0: {  	(tag) =	ssettag $0x1  }
0x1: {  	s1 =	rddreg [dreg:$0x0];
	s2 =	srdreg.scid  }
0x2: {  	s3 =	rddreg [dreg:$0x1];
	s4 =	sand.u32 $0x1, s2;
	s2 =	simm.s32 $0x0  }
0x3: {  	s8 =	simm.s32 $0x1500;
	[smem:$0x7FF] =	sst s2  }
0x4: {  	s9 =	simm.s32 $0x1900;
	_ =	strace $0x8000004A;
	[dreg:$0x8] =	wrdreg s8  }
0x5: {  	s10 =	simm.s32 $0x2100;
	[dreg:$0x9] =	wrdreg s9  }
0x6: {  	s11 =	simm.s32 $0x2500;
	[dreg:$0xa] =	wrdreg s10  }
0x7: {  	s12 =	simm.s32 $0x2D00;
	[dreg:$0xb] =	wrdreg s11  }
0x8: {  	s13 =	simm.s32 $0x3100;
	[dreg:$0xc] =	wrdreg s12  }
0x9: {  	s14 =	simm.s32 $0x3900;
	[dreg:$0xd] =	wrdreg s13  }
0xa: {  	s15 =	simm.s32 $0x3D00;
	[dreg:$0xe] =	wrdreg s14  }
0xb: {  	s16 =	simm.s32 $0x4500;
	[dreg:$0xf] =	wrdreg s15  }
0xc: {  	s17 =	simm.s32 $0x4900;
	[dreg:$0x10] =	wrdreg s16  }
0xd: {  	s18 =	simm.s32 $0x5100;
	[dreg:$0x11] =	wrdreg s17  }
0xe: {  	s19 =	simm.s32 $0x5500;
	[dreg:$0x12] =	wrdreg s18  }
0xf: {  	s20 =	simm.s32 $0x5D00;
	[dreg:$0x13] =	wrdreg s19  }
0x10: {  	s21 =	simm.s32 $0x6100;
	[dreg:$0x14] =	wrdreg s20  }
0x11: {  	s22 =	simm.s32 $0x6900;
	[dreg:$0x15] =	wrdreg s21  }
0x12: {  	s23 =	simm.s32 $0x6D00;
	[dreg:$0x16] =	wrdreg s22  }
0x13: {  	s24 =	simm.s32 $0x7500;
	[dreg:$0x17] =	wrdreg s23  }
0x14: {  	s25 =	simm.s32 $0x7900;
	[dreg:$0x18] =	wrdreg s24  }
0x15: {  	s0 =	stileid.u32;
	s26 =	simm.s32 $0x8100;
	[dreg:$0x19] =	wrdreg s25  }
0x16: {  	s5 =	sshll.u32 s0, $0x1;
	s0 =	simm.s32 $0x8500;
	[dreg:$0x1a] =	wrdreg s26  }
0x17: {  	[dreg:$0x1b] =	wrdreg s0;
	s8 =	simm.s32 $0x9D00  }
0x18: {  	s9 =	simm.s32 $0xA500;
	[dreg:$0x1f] =	wrdreg s8  }
0x19: {  	s10 =	simm.s32 $0xA900;
	[smem:$0x7ED] =	sst s9  }
0x1a: {  	s11 =	simm.s32 $0xB100;
	[smem:$0x7EE] =	sst s10  }
0x1b: {  	s12 =	simm.s32 $0xB500;
	[smem:$0x7EF] =	sst s11  }
0x1c: {  	s13 =	simm.s32 $0xBD00;
	[smem:$0x7F0] =	sst s12  }
0x1d: {  	s14 =	simm.s32 $0xC900;
	[smem:$0x7F1] =	sst s13  }
0x1e: {  	s15 =	simm.s32 $0xCD00;
	[smem:$0x7F2] =	sst s14  }
0x1f: {  	s28 =	simm.s32 $0x17D00;
	s16 =	simm.s32 $0xD500;
	[smem:$0x7F3] =	sst s15  }
0x20: {  	s29 =	simm.s32 $0x1;
	s17 =	simm.s32 $0xD900;
	[smem:$0x7F4] =	sst s16  }
0x21: {  	s30 =	simm.s32 $0x2;
	s18 =	simm.s32 $0xE100;
	[smem:$0x7F5] =	sst s17  }
0x22: {  	s31 =	simm.s32 $0x3;
	s20 =	simm.s32 $0xE500;
	[smem:$0x7F6] =	sst s18  }
0x23: {  	s5 =	sor.u32 s4, s5;
	s21 =	simm.s32 $0xED00;
	[smem:$0x7F7] =	sst s20  }
0x24: {  	s4 =	ssub.s32 $0x2, s4;
	s22 =	simm.s32 $0xF100;
	[smem:$0x7F8] =	sst s21  }
0x25: {  	s6 =	sshll.u32 s5, $0x5;
	s23 =	simm.s32 $0xF900;
	[smem:$0x7F9] =	sst s22  }
0x26: {  	s7 =	smul.u32 $0x18000, s5;
	s24 =	simm.s32 $0xFD00;
	[smem:$0x7FA] =	sst s23  }
0x27: {  	s5 =	smul.u32 $0x3000, s5;
	s25 =	simm.s32 $0x10500;
	[smem:$0x7FB] =	sst s24  }
0x28: {  	s19 =	sshrl.u32 s4, $0x1;
	s26 =	simm.s32 $0x10900;
	[smem:$0x7FC] =	sst s25  }
0x29: {  	s6 =	sadd.s32 s6, s1;
	s8 =	simm.s32 $0xC100;
	[smem:$0x7FD] =	sst s26  }
0x2a: {  	s10 =	simm.s32 $0x11500;
	s11 =	simm.s32 $0x11D00;
	s12 =	simm.s32 $0x12100  }
0x2b: {  	s13 =	simm.s32 $0x12900;
	s14 =	simm.s32 $0x12D00;
	s15 =	simm.s32 $0x13500  }
0x2c: {  	s16 =	simm.s32 $0x13900;
	s17 =	simm.s32 $0x14100;
	s18 =	simm.s32 $0x14500  }
0x2d: {  	s20 =	simm.s32 $0x15100;
	s21 =	simm.s32 $0x15900;
	s6 =	sadd.s32 $0x120E00, s6  }
0x2e: {  	s22 =	simm.s32 $0x15D00;
	s5 =	sadd.s32 s3, s5;
	[dreg:$0x3] =	wrdreg s6  }
0x2f: {  	s7 =	sshrl.u32 s7, $0x3;
	[dreg:$0x4] =	wrdreg s5;
	s6 =	simm.s32 $0x900  }
0x30: {  	s3 =	sadd.s32 s3, s7;
	s7 =	simm.s32 $0xD00;
	[dreg:$0x6] =	wrdreg s6  }
0x31: {  	s23 =	simm.s32 $0x16500;
	s5 =	simm.s32 $0x8D00;
	[dreg:$0x7] =	wrdreg s7  }
0x32: {  	s24 =	simm.s32 $0x16900;
	s3 =	sadd.s32 $0x1800, s3;
	[dreg:$0x1c] =	wrdreg s5  }
0x33: {  	s25 =	simm.s32 $0x17100;
	s6 =	simm.s32 $0x9100;
	[dreg:$0x5] =	wrdreg s3  }
0x34: {  	s26 =	simm.s32 $0x17500;
	s7 =	simm.s32 $0x9900;
	[dreg:$0x1d] =	wrdreg s6  }
0x35: {  	v2 =	vlaneseq.u32;
	[dreg:$0x1e] =	wrdreg s7;
	s3 =	sadd.s32 $0x121200, s1;
	s6 =	ssub.s32 s4, s19  }
0x36: {  	vm0 =	vmmov $0xffff;
	vm1 =	vmmov $0xff;
	v1 =	vshrl.u32 v2, $0x3;
	s4 =	sadd.s32 $0x121300, s1;
	s7 =	simm.s32 $0x100;
	s19 =	simm.s32 $0x14D00  }
0x37: {  	v0 =	vand.u32 $0x7, v2;
	v2 =	vor.u32 $0x8, v2;
	v1 =	vmul.u32 $0x8, v1;
	s1 =	simm.s32 $0x4;
	s5 =	smax.u32 s6, $0x1;
	s6 =	simm.s32 $0x5  }
.LBB2_1:
0x38: {  	s0 =	rddreg [dreg:$0x3]  }
0x39: {  	[tilespmem:s2], [sflag:$0x5] =	stream.linear.gather [hbm4b:s0+s2], $0x100, $0x38;
	[tilespmem:$0x18100] =	vst v63  }
0x3a: {  	_ =	swait.ge [sflag:s6], $0x100  }
0x3b: {  	[sflag:s6] =	ssyncset.done $0x0  }
0x3c: {  	[sflag:s6] =	ssyncadd.s32 $0xFFFFFF00  }
0x3d: {  	v3 =	vld [tilespmem:$0x0];
	_ =	sdelay $0x4  }
0x3e: {  	v4 =	vshrl.u32 v3, $0x3  }
0x3f: {  	v4 =	vmul.u32 $0x18, v4  }
0x40: {  	v3 =	vand.u32 $0x7, v3  }
0x41: {  	v3 =	vor.u32 v3, v4  }
0x42: {  	v4 =	vperm.xlane v3, v0;
	_ =	sdelay $0x1  }
0x43: {  	v4 =	vadd.s32 v1, v4;
	_ =	sdelay $0x1  }
0x44: {  	v3 =	vperm.xlane v3, v2;
	_ =	sdelay $0x1  }
0x45: {  	v3 =	vadd.s32 v1, v3  }
0x46: {  	[tilespmem:s7], [sflag:$0x1] =	stream.indirect_vreg.gather [hbm4b:s3+s2], $0x80, v4, vm0, $0xb8;
	[tilespmem:$0x18100] =	vst v63  }
0x47: {  	s0 =	rddreg [dreg:$0x6]  }
0x48: {  	[tilespmem:s0], [sflag:$0x1] =	stream.indirect_vreg.gather [hbm4b:s4+s2], $0x80, v4, vm1, $0xb8;
	[tilespmem:$0x18100] =	vst v63  }
0x49: {  	s9 =	rddreg [dreg:$0x7]  }
0x4a: {  	[tilespmem:s9], [sflag:$0x1] =	stream.indirect_vreg.gather [hbm4b:s3+s2], $0x80, v3, vm0, $0xb8;
	[tilespmem:$0x18100] =	vst v63  }
0x4b: {  	s0 =	rddreg [dreg:$0x8]  }
0x4c: {  	[tilespmem:s0], [sflag:$0x1] =	stream.indirect_vreg.gather [hbm4b:s4+s2], $0x80, v3, vm1, $0xb8;
	[tilespmem:$0x18100] =	vst v63  }
0x4d: {  	v3 =	vld [tilespmem:$0x10];
	_ =	sdelay $0x4  }
0x4e: {  	v49 =	vshrl.u32 v3, $0x3  }
0x4f: {  	v4 =	vmul.u32 $0x18, v49  }
0x50: {  	v3 =	vand.u32 $0x7, v3  }
0x51: {  	v3 =	vor.u32 v3, v4  }
0x52: {  	v4 =	vperm.xlane v3, v0;
	_ =	sdelay $0x1  }
0x53: {  	v4 =	vadd.s32 v1, v4;
	_ =	sdelay $0x1  }
0x54: {  	v3 =	vperm.xlane v3, v2;
	_ =	sdelay $0x1  }
0x55: {  	s0 =	rddreg [dreg:$0x9];
	v3 =	vadd.s32 v1, v3  }
0x56: {  	[tilespmem:s0], [sflag:$0x1] =	stream.indirect_vreg.gather [hbm4b:s3+s2], $0x80, v4, vm0, $0xb8;
	[tilespmem:$0x18100] =	vst v63  }
0x57: {  	s9 =	rddreg [dreg:$0xa]  }
0x58: {  	[tilespmem:s9], [sflag:$0x1] =	stream.indirect_vreg.gather [hbm4b:s4+s2], $0x80, v4, vm1, $0xb8;
	[tilespmem:$0x18100] =	vst v63  }
0x59: {  	s0 =	rddreg [dreg:$0xb]  }
0x5a: {  	[tilespmem:s0], [sflag:$0x1] =	stream.indirect_vreg.gather [hbm4b:s3+s2], $0x80, v3, vm0, $0xb8;
	[tilespmem:$0x18100] =	vst v63  }
0x5b: {  	s9 =	rddreg [dreg:$0xc]  }
0x5c: {  	[tilespmem:s9], [sflag:$0x1] =	stream.indirect_vreg.gather [hbm4b:s4+s2], $0x80, v3, vm1, $0xb8;
	[tilespmem:$0x18100] =	vst v63  }
0x5d: {  	v3 =	vld [tilespmem:$0x20];
	_ =	sdelay $0x4  }
0x5e: {  	v50 =	vshrl.u32 v3, $0x3  }
0x5f: {  	v4 =	vmul.u32 $0x18, v50  }
0x60: {  	v3 =	vand.u32 $0x7, v3  }
0x61: {  	v3 =	vor.u32 v3, v4  }
0x62: {  	v4 =	vperm.xlane v3, v0;
	_ =	sdelay $0x1  }
0x63: {  	v4 =	vadd.s32 v1, v4;
	_ =	sdelay $0x1  }
0x64: {  	v3 =	vperm.xlane v3, v2;
	_ =	sdelay $0x1  }
0x65: {  	s0 =	rddreg [dreg:$0xd];
	v3 =	vadd.s32 v1, v3  }
0x66: {  	[tilespmem:s0], [sflag:$0x1] =	stream.indirect_vreg.gather [hbm4b:s3+s2], $0x80, v4, vm0, $0xb8;
	[tilespmem:$0x18100] =	vst v63  }
0x67: {  	s9 =	rddreg [dreg:$0xe]  }
0x68: {  	[tilespmem:s9], [sflag:$0x1] =	stream.indirect_vreg.gather [hbm4b:s4+s2], $0x80, v4, vm1, $0xb8;
	[tilespmem:$0x18100] =	vst v63  }
0x69: {  	s0 =	rddreg [dreg:$0xf]  }
0x6a: {  	[tilespmem:s0], [sflag:$0x1] =	stream.indirect_vreg.gather [hbm4b:s3+s2], $0x80, v3, vm0, $0xb8;
	[tilespmem:$0x18100] =	vst v63  }
0x6b: {  	s9 =	rddreg [dreg:$0x10]  }
0x6c: {  	[tilespmem:s9], [sflag:$0x1] =	stream.indirect_vreg.gather [hbm4b:s4+s2], $0x80, v3, vm1, $0xb8;
	[tilespmem:$0x18100] =	vst v63  }
0x6d: {  	v3 =	vld [tilespmem:$0x30];
	_ =	sdelay $0x4  }
0x6e: {  	v51 =	vshrl.u32 v3, $0x3  }
0x6f: {  	v4 =	vmul.u32 $0x18, v51  }
0x70: {  	v3 =	vand.u32 $0x7, v3  }
0x71: {  	v3 =	vor.u32 v3, v4  }
0x72: {  	v4 =	vperm.xlane v3, v0;
	_ =	sdelay $0x1  }
0x73: {  	v4 =	vadd.s32 v1, v4;
	_ =	sdelay $0x1  }
0x74: {  	v3 =	vperm.xlane v3, v2;
	_ =	sdelay $0x1  }
0x75: {  	s0 =	rddreg [dreg:$0x11];
	v3 =	vadd.s32 v1, v3  }
0x76: {  	[tilespmem:s0], [sflag:$0x1] =	stream.indirect_vreg.gather [hbm4b:s3+s2], $0x80, v4, vm0, $0xb8;
	[tilespmem:$0x18100] =	vst v63  }
0x77: {  	s9 =	rddreg [dreg:$0x12]  }
0x78: {  	[tilespmem:s9], [sflag:$0x1] =	stream.indirect_vreg.gather [hbm4b:s4+s2], $0x80, v4, vm1, $0xb8;
	[tilespmem:$0x18100] =	vst v63  }
0x79: {  	s0 =	rddreg [dreg:$0x13]  }
0x7a: {  	[tilespmem:s0], [sflag:$0x1] =	stream.indirect_vreg.gather [hbm4b:s3+s2], $0x80, v3, vm0, $0xb8;
	[tilespmem:$0x18100] =	vst v63  }
0x7b: {  	s9 =	rddreg [dreg:$0x14]  }
0x7c: {  	[tilespmem:s9], [sflag:$0x1] =	stream.indirect_vreg.gather [hbm4b:s4+s2], $0x80, v3, vm1, $0xb8;
	[tilespmem:$0x18100] =	vst v63  }
0x7d: {  	v3 =	vld [tilespmem:$0x40];
	_ =	sdelay $0x4  }
0x7e: {  	v52 =	vshrl.u32 v3, $0x3  }
0x7f: {  	v4 =	vmul.u32 $0x18, v52  }
0x80: {  	v3 =	vand.u32 $0x7, v3  }
0x81: {  	v3 =	vor.u32 v3, v4  }
0x82: {  	v4 =	vperm.xlane v3, v0;
	_ =	sdelay $0x1  }
0x83: {  	v4 =	vadd.s32 v1, v4;
	_ =	sdelay $0x1  }
0x84: {  	v3 =	vperm.xlane v3, v2;
	_ =	sdelay $0x1  }
0x85: {  	s0 =	rddreg [dreg:$0x15];
	v3 =	vadd.s32 v1, v3  }
0x86: {  	[tilespmem:s0], [sflag:$0x1] =	stream.indirect_vreg.gather [hbm4b:s3+s2], $0x80, v4, vm0, $0xb8;
	[tilespmem:$0x18100] =	vst v63  }
0x87: {  	s9 =	rddreg [dreg:$0x16]  }
0x88: {  	[tilespmem:s9], [sflag:$0x1] =	stream.indirect_vreg.gather [hbm4b:s4+s2], $0x80, v4, vm1, $0xb8;
	[tilespmem:$0x18100] =	vst v63  }
0x89: {  	s0 =	rddreg [dreg:$0x17]  }
0x8a: {  	[tilespmem:s0], [sflag:$0x1] =	stream.indirect_vreg.gather [hbm4b:s3+s2], $0x80, v3, vm0, $0xb8;
	[tilespmem:$0x18100] =	vst v63  }
0x8b: {  	s9 =	rddreg [dreg:$0x18]  }
0x8c: {  	[tilespmem:s9], [sflag:$0x1] =	stream.indirect_vreg.gather [hbm4b:s4+s2], $0x80, v3, vm1, $0xb8;
	[tilespmem:$0x18100] =	vst v63  }
0x8d: {  	v3 =	vld [tilespmem:$0x50];
	_ =	sdelay $0x4  }
0x8e: {  	v53 =	vshrl.u32 v3, $0x3  }
0x8f: {  	v4 =	vmul.u32 $0x18, v53  }
0x90: {  	v3 =	vand.u32 $0x7, v3  }
0x91: {  	v3 =	vor.u32 v3, v4  }
0x92: {  	v4 =	vperm.xlane v3, v0;
	_ =	sdelay $0x1  }
0x93: {  	v4 =	vadd.s32 v1, v4;
	_ =	sdelay $0x1  }
0x94: {  	v3 =	vperm.xlane v3, v2;
	_ =	sdelay $0x1  }
0x95: {  	s0 =	rddreg [dreg:$0x19];
	v3 =	vadd.s32 v1, v3  }
0x96: {  	[tilespmem:s0], [sflag:$0x1] =	stream.indirect_vreg.gather [hbm4b:s3+s2], $0x80, v4, vm0, $0xb8;
	[tilespmem:$0x18100] =	vst v63  }
0x97: {  	s9 =	rddreg [dreg:$0x1a]  }
0x98: {  	[tilespmem:s9], [sflag:$0x1] =	stream.indirect_vreg.gather [hbm4b:s4+s2], $0x80, v4, vm1, $0xb8;
	[tilespmem:$0x18100] =	vst v63  }
0x99: {  	s0 =	rddreg [dreg:$0x1b]  }
0x9a: {  	[tilespmem:s0], [sflag:$0x1] =	stream.indirect_vreg.gather [hbm4b:s3+s2], $0x80, v3, vm0, $0xb8;
	[tilespmem:$0x18100] =	vst v63  }
0x9b: {  	s9 =	rddreg [dreg:$0x1c]  }
0x9c: {  	[tilespmem:s9], [sflag:$0x1] =	stream.indirect_vreg.gather [hbm4b:s4+s2], $0x80, v3, vm1, $0xb8;
	[tilespmem:$0x18100] =	vst v63  }
0x9d: {  	v3 =	vld [tilespmem:$0x60];
	_ =	sdelay $0x4  }
0x9e: {  	v54 =	vshrl.u32 v3, $0x3  }
0x9f: {  	v4 =	vmul.u32 $0x18, v54  }
0xa0: {  	v3 =	vand.u32 $0x7, v3  }
0xa1: {  	v3 =	vor.u32 v3, v4  }
0xa2: {  	v4 =	vperm.xlane v3, v0;
	_ =	sdelay $0x1  }
0xa3: {  	v4 =	vadd.s32 v1, v4;
	_ =	sdelay $0x1  }
0xa4: {  	v3 =	vperm.xlane v3, v2  }
0xa5: {  	s0 =	rddreg [dreg:$0x1d]  }
0xa6: {  	s9 =	rddreg [dreg:$0x1e];
	v3 =	vadd.s32 v1, v3  }
0xa7: {  	[tilespmem:s0], [sflag:$0x1] =	stream.indirect_vreg.gather [hbm4b:s3+s2], $0x80, v4, vm0, $0xb8;
	[tilespmem:$0x18100] =	vst v63  }
0xa8: {  	s0 =	rddreg [dreg:$0x1f]  }
0xa9: {  	[tilespmem:s9], [sflag:$0x1] =	stream.indirect_vreg.gather [hbm4b:s4+s2], $0x80, v4, vm1, $0xb8;
	[tilespmem:$0x18100] =	vst v63  }
0xaa: {  	s9 =	sld [smem:$0x7ED]  }
0xab: {  	[tilespmem:s0], [sflag:$0x1] =	stream.indirect_vreg.gather [hbm4b:s3+s2], $0x80, v3, vm0, $0xb8;
	[tilespmem:$0x18100] =	vst v63  }
0xac: {  	_ = 	snop  }
0xad: {  	[tilespmem:s9], [sflag:$0x1] =	stream.indirect_vreg.gather [hbm4b:s4+s2], $0x80, v3, vm1, $0xb8;
	[tilespmem:$0x18100] =	vst v63  }
0xae: {  	v3 =	vld [tilespmem:$0x70];
	_ =	sdelay $0x4  }
0xaf: {  	v55 =	vshrl.u32 v3, $0x3  }
0xb0: {  	v4 =	vmul.u32 $0x18, v55  }
0xb1: {  	v3 =	vand.u32 $0x7, v3  }
0xb2: {  	v3 =	vor.u32 v3, v4  }
0xb3: {  	v4 =	vperm.xlane v3, v0;
	_ =	sdelay $0x1  }
0xb4: {  	v4 =	vadd.s32 v1, v4;
	_ =	sdelay $0x1  }
0xb5: {  	s0 =	sld [smem:$0x7EE];
	v3 =	vperm.xlane v3, v2;
	_ =	sdelay $0x1  }
0xb6: {  	s9 =	sld [smem:$0x7EF];
	v3 =	vadd.s32 v1, v3  }
0xb7: {  	[tilespmem:s0], [sflag:$0x1] =	stream.indirect_vreg.gather [hbm4b:s3+s2], $0x80, v4, vm0, $0xb8;
	[tilespmem:$0x18100] =	vst v63  }
0xb8: {  	s0 =	sld [smem:$0x7F0]  }
0xb9: {  	[tilespmem:s9], [sflag:$0x1] =	stream.indirect_vreg.gather [hbm4b:s4+s2], $0x80, v4, vm1, $0xb8;
	[tilespmem:$0x18100] =	vst v63  }
0xba: {  	s9 =	sld [smem:$0x7F1]  }
0xbb: {  	[tilespmem:s0], [sflag:$0x1] =	stream.indirect_vreg.gather [hbm4b:s3+s2], $0x80, v3, vm0, $0xb8;
	[tilespmem:$0x18100] =	vst v63  }
0xbc: {  	_ = 	snop  }
0xbd: {  	[tilespmem:s9], [sflag:$0x1] =	stream.indirect_vreg.gather [hbm4b:s4+s2], $0x80, v3, vm1, $0xb8;
	[tilespmem:$0x18100] =	vst v63  }
0xbe: {  	v3 =	vld [tilespmem:$0x80];
	_ =	sdelay $0x4  }
0xbf: {  	v56 =	vshrl.u32 v3, $0x3  }
0xc0: {  	v4 =	vmul.u32 $0x18, v56  }
0xc1: {  	v3 =	vand.u32 $0x7, v3  }
0xc2: {  	v3 =	vor.u32 v3, v4  }
0xc3: {  	v4 =	vperm.xlane v3, v0;
	_ =	sdelay $0x1  }
0xc4: {  	v4 =	vadd.s32 v1, v4;
	_ =	sdelay $0x1  }
0xc5: {  	v3 =	vperm.xlane v3, v2;
	_ =	sdelay $0x1  }
0xc6: {  	s0 =	sld [smem:$0x7F2];
	v3 =	vadd.s32 v1, v3  }
0xc7: {  	[tilespmem:s8], [sflag:$0x2] =	stream.indirect_vreg.gather [hbm4b:s3+s2], $0x80, v4, vm0, $0xb8;
	[tilespmem:$0x18100] =	vst v63  }
0xc8: {  	s9 =	sld [smem:$0x7F3]  }
0xc9: {  	[tilespmem:s0], [sflag:$0x2] =	stream.indirect_vreg.gather [hbm4b:s4+s2], $0x80, v4, vm1, $0xb8;
	[tilespmem:$0x18100] =	vst v63  }
0xca: {  	s0 =	sld [smem:$0x7F4]  }
0xcb: {  	[tilespmem:s9], [sflag:$0x2] =	stream.indirect_vreg.gather [hbm4b:s3+s2], $0x80, v3, vm0, $0xb8;
	[tilespmem:$0x18100] =	vst v63  }
0xcc: {  	_ = 	snop  }
0xcd: {  	[tilespmem:s0], [sflag:$0x2] =	stream.indirect_vreg.gather [hbm4b:s4+s2], $0x80, v3, vm1, $0xb8;
	[tilespmem:$0x18100] =	vst v63  }
0xce: {  	v3 =	vld [tilespmem:$0x90];
	_ =	sdelay $0x4  }
0xcf: {  	v57 =	vshrl.u32 v3, $0x3  }
0xd0: {  	v4 =	vmul.u32 $0x18, v57  }
0xd1: {  	v3 =	vand.u32 $0x7, v3  }
0xd2: {  	v3 =	vor.u32 v3, v4  }
0xd3: {  	v4 =	vperm.xlane v3, v0;
	_ =	sdelay $0x1  }
0xd4: {  	v4 =	vadd.s32 v1, v4;
	_ =	sdelay $0x1  }
0xd5: {  	s0 =	sld [smem:$0x7F5];
	v3 =	vperm.xlane v3, v2;
	_ =	sdelay $0x1  }
0xd6: {  	s9 =	sld [smem:$0x7F6];
	v3 =	vadd.s32 v1, v3  }
0xd7: {  	[tilespmem:s0], [sflag:$0x2] =	stream.indirect_vreg.gather [hbm4b:s3+s2], $0x80, v4, vm0, $0xb8;
	[tilespmem:$0x18100] =	vst v63  }
0xd8: {  	s0 =	sld [smem:$0x7F7]  }
0xd9: {  	[tilespmem:s9], [sflag:$0x2] =	stream.indirect_vreg.gather [hbm4b:s4+s2], $0x80, v4, vm1, $0xb8;
	[tilespmem:$0x18100] =	vst v63  }
0xda: {  	s9 =	sld [smem:$0x7F8]  }
0xdb: {  	[tilespmem:s0], [sflag:$0x2] =	stream.indirect_vreg.gather [hbm4b:s3+s2], $0x80, v3, vm0, $0xb8;
	[tilespmem:$0x18100] =	vst v63  }
0xdc: {  	_ = 	snop  }
0xdd: {  	[tilespmem:s9], [sflag:$0x2] =	stream.indirect_vreg.gather [hbm4b:s4+s2], $0x80, v3, vm1, $0xb8;
	[tilespmem:$0x18100] =	vst v63  }
0xde: {  	v3 =	vld [tilespmem:$0xA0];
	_ =	sdelay $0x4  }
0xdf: {  	v58 =	vshrl.u32 v3, $0x3  }
0xe0: {  	v4 =	vmul.u32 $0x18, v58  }
0xe1: {  	v3 =	vand.u32 $0x7, v3  }
0xe2: {  	v3 =	vor.u32 v3, v4  }
0xe3: {  	v4 =	vperm.xlane v3, v0;
	_ =	sdelay $0x1  }
0xe4: {  	v4 =	vadd.s32 v1, v4;
	_ =	sdelay $0x1  }
0xe5: {  	s0 =	sld [smem:$0x7F9];
	v3 =	vperm.xlane v3, v2;
	_ =	sdelay $0x1  }
0xe6: {  	s9 =	sld [smem:$0x7FA];
	v3 =	vadd.s32 v1, v3  }
0xe7: {  	[tilespmem:s0], [sflag:$0x2] =	stream.indirect_vreg.gather [hbm4b:s3+s2], $0x80, v4, vm0, $0xb8;
	[tilespmem:$0x18100] =	vst v63  }
0xe8: {  	s0 =	sld [smem:$0x7FB]  }
0xe9: {  	[tilespmem:s9], [sflag:$0x2] =	stream.indirect_vreg.gather [hbm4b:s4+s2], $0x80, v4, vm1, $0xb8;
	[tilespmem:$0x18100] =	vst v63  }
0xea: {  	s9 =	sld [smem:$0x7FC]  }
0xeb: {  	[tilespmem:s0], [sflag:$0x2] =	stream.indirect_vreg.gather [hbm4b:s3+s2], $0x80, v3, vm0, $0xb8;
	[tilespmem:$0x18100] =	vst v63  }
0xec: {  	_ = 	snop  }
0xed: {  	[tilespmem:s9], [sflag:$0x2] =	stream.indirect_vreg.gather [hbm4b:s4+s2], $0x80, v3, vm1, $0xb8;
	[tilespmem:$0x18100] =	vst v63  }
0xee: {  	v3 =	vld [tilespmem:$0xB0];
	_ =	sdelay $0x4  }
0xef: {  	v59 =	vshrl.u32 v3, $0x3  }
0xf0: {  	v4 =	vmul.u32 $0x18, v59  }
0xf1: {  	v3 =	vand.u32 $0x7, v3  }
0xf2: {  	v3 =	vor.u32 v3, v4  }
0xf3: {  	v4 =	vperm.xlane v3, v0;
	_ =	sdelay $0x1  }
0xf4: {  	v4 =	vadd.s32 v1, v4;
	_ =	sdelay $0x1  }
0xf5: {  	s9 =	sld [smem:$0x7FD];
	v3 =	vperm.xlane v3, v2;
	_ =	sdelay $0x1  }
0xf6: {  	v3 =	vadd.s32 v1, v3  }
0xf7: {  	[tilespmem:s9], [sflag:$0x2] =	stream.indirect_vreg.gather [hbm4b:s3+s2], $0x80, v4, vm0, $0xb8;
	[tilespmem:$0x18100] =	vst v63  }
0xf8: {  	s9 =	simm.s32 $0x11100  }
0xf9: {  	[tilespmem:s9], [sflag:$0x2] =	stream.indirect_vreg.gather [hbm4b:s4+s2], $0x80, v4, vm1, $0xb8;
	[tilespmem:$0x18100] =	vst v63  }
0xfa: {  	_ = 	snop  }
0xfb: {  	[tilespmem:s10], [sflag:$0x2] =	stream.indirect_vreg.gather [hbm4b:s3+s2], $0x80, v3, vm0, $0xb8;
	[tilespmem:$0x18100] =	vst v63  }
0xfc: {  	_ = 	snop  }
0xfd: {  	[tilespmem:s11], [sflag:$0x2] =	stream.indirect_vreg.gather [hbm4b:s4+s2], $0x80, v3, vm1, $0xb8;
	[tilespmem:$0x18100] =	vst v63  }
0xfe: {  	v3 =	vld [tilespmem:$0xC0];
	_ =	sdelay $0x4  }
0xff: {  	v60 =	vshrl.u32 v3, $0x3  }
0x100: {  	v4 =	vmul.u32 $0x18, v60  }
0x101: {  	v3 =	vand.u32 $0x7, v3  }
0x102: {  	v3 =	vor.u32 v3, v4  }
0x103: {  	v4 =	vperm.xlane v3, v0;
	_ =	sdelay $0x1  }
0x104: {  	v4 =	vadd.s32 v1, v4;
	_ =	sdelay $0x1  }
0x105: {  	v3 =	vperm.xlane v3, v2;
	_ =	sdelay $0x1  }
0x106: {  	v3 =	vadd.s32 v1, v3  }
0x107: {  	[tilespmem:s12], [sflag:$0x2] =	stream.indirect_vreg.gather [hbm4b:s3+s2], $0x80, v4, vm0, $0xb8;
	[tilespmem:$0x18100] =	vst v63  }
0x108: {  	_ = 	snop  }
0x109: {  	[tilespmem:s13], [sflag:$0x2] =	stream.indirect_vreg.gather [hbm4b:s4+s2], $0x80, v4, vm1, $0xb8;
	[tilespmem:$0x18100] =	vst v63  }
0x10a: {  	_ = 	snop  }
0x10b: {  	[tilespmem:s14], [sflag:$0x2] =	stream.indirect_vreg.gather [hbm4b:s3+s2], $0x80, v3, vm0, $0xb8;
	[tilespmem:$0x18100] =	vst v63  }
0x10c: {  	_ = 	snop  }
0x10d: {  	[tilespmem:s15], [sflag:$0x2] =	stream.indirect_vreg.gather [hbm4b:s4+s2], $0x80, v3, vm1, $0xb8;
	[tilespmem:$0x18100] =	vst v63  }
0x10e: {  	v3 =	vld [tilespmem:$0xD0];
	_ =	sdelay $0x4  }
0x10f: {  	v61 =	vshrl.u32 v3, $0x3  }
0x110: {  	v4 =	vmul.u32 $0x18, v61  }
0x111: {  	v3 =	vand.u32 $0x7, v3  }
0x112: {  	v3 =	vor.u32 v3, v4  }
0x113: {  	v4 =	vperm.xlane v3, v0;
	_ =	sdelay $0x1  }
0x114: {  	v4 =	vadd.s32 v1, v4;
	_ =	sdelay $0x1  }
0x115: {  	v3 =	vperm.xlane v3, v2;
	_ =	sdelay $0x1  }
0x116: {  	v3 =	vadd.s32 v1, v3  }
0x117: {  	[tilespmem:s16], [sflag:$0x2] =	stream.indirect_vreg.gather [hbm4b:s3+s2], $0x80, v4, vm0, $0xb8;
	[tilespmem:$0x18100] =	vst v63  }
0x118: {  	_ = 	snop  }
0x119: {  	[tilespmem:s17], [sflag:$0x2] =	stream.indirect_vreg.gather [hbm4b:s4+s2], $0x80, v4, vm1, $0xb8;
	[tilespmem:$0x18100] =	vst v63  }
0x11a: {  	_ = 	snop  }
0x11b: {  	[tilespmem:s18], [sflag:$0x2] =	stream.indirect_vreg.gather [hbm4b:s3+s2], $0x80, v3, vm0, $0xb8;
	[tilespmem:$0x18100] =	vst v63  }
0x11c: {  	_ = 	snop  }
0x11d: {  	[tilespmem:s19], [sflag:$0x2] =	stream.indirect_vreg.gather [hbm4b:s4+s2], $0x80, v3, vm1, $0xb8;
	[tilespmem:$0x18100] =	vst v63  }
0x11e: {  	v3 =	vld [tilespmem:$0xE0];
	_ =	sdelay $0x4  }
0x11f: {  	v62 =	vshrl.u32 v3, $0x3  }
0x120: {  	v4 =	vmul.u32 $0x18, v62  }
0x121: {  	v3 =	vand.u32 $0x7, v3  }
0x122: {  	v3 =	vor.u32 v3, v4  }
0x123: {  	v4 =	vperm.xlane v3, v0;
	_ =	sdelay $0x1  }
0x124: {  	v4 =	vadd.s32 v1, v4;
	_ =	sdelay $0x1  }
0x125: {  	v3 =	vperm.xlane v3, v2;
	_ =	sdelay $0x1  }
0x126: {  	v3 =	vadd.s32 v1, v3  }
0x127: {  	[tilespmem:s20], [sflag:$0x2] =	stream.indirect_vreg.gather [hbm4b:s3+s2], $0x80, v4, vm0, $0xb8;
	[tilespmem:$0x18100] =	vst v63  }
0x128: {  	_ = 	snop  }
0x129: {  	[tilespmem:s21], [sflag:$0x2] =	stream.indirect_vreg.gather [hbm4b:s4+s2], $0x80, v4, vm1, $0xb8;
	[tilespmem:$0x18100] =	vst v63  }
0x12a: {  	_ = 	snop  }
0x12b: {  	[tilespmem:s22], [sflag:$0x2] =	stream.indirect_vreg.gather [hbm4b:s3+s2], $0x80, v3, vm0, $0xb8;
	[tilespmem:$0x18100] =	vst v63  }
0x12c: {  	_ = 	snop  }
0x12d: {  	[tilespmem:s23], [sflag:$0x2] =	stream.indirect_vreg.gather [hbm4b:s4+s2], $0x80, v3, vm1, $0xb8;
	[tilespmem:$0x18100] =	vst v63  }
0x12e: {  	v3 =	vld [tilespmem:$0xF0];
	_ =	sdelay $0x4  }
0x12f: {  	v63 =	vshrl.u32 v3, $0x3  }
0x130: {  	v4 =	vmul.u32 $0x18, v63  }
0x131: {  	v3 =	vand.u32 $0x7, v3  }
0x132: {  	v3 =	vor.u32 v3, v4  }
0x133: {  	v4 =	vperm.xlane v3, v0;
	_ =	sdelay $0x1  }
0x134: {  	v4 =	vadd.s32 v1, v4;
	_ =	sdelay $0x1  }
0x135: {  	v3 =	vperm.xlane v3, v2;
	_ =	sdelay $0x1  }
0x136: {  	v3 =	vadd.s32 v1, v3  }
0x137: {  	[tilespmem:s24], [sflag:$0x2] =	stream.indirect_vreg.gather [hbm4b:s3+s2], $0x80, v4, vm0, $0xb8;
	[tilespmem:$0x18100] =	vst v63  }
0x138: {  	_ = 	snop  }
0x139: {  	[tilespmem:s25], [sflag:$0x2] =	stream.indirect_vreg.gather [hbm4b:s4+s2], $0x80, v4, vm1, $0xb8;
	[tilespmem:$0x18100] =	vst v63  }
0x13a: {  	_ = 	snop  }
0x13b: {  	[tilespmem:s26], [sflag:$0x2] =	stream.indirect_vreg.gather [hbm4b:s3+s2], $0x80, v3, vm0, $0xb8;
	[tilespmem:$0x18100] =	vst v63  }
0x13c: {  	_ = 	snop  }
0x13d: {  	[tilespmem:s28], [sflag:$0x2] =	stream.indirect_vreg.gather [hbm4b:s4+s2], $0x80, v3, vm1, $0xb8;
	[tilespmem:$0x18100] =	vst v63  }
0x13e: {  	_ =	swait.ge [sflag:s29], $0xC000  }
0x13f: {  	[sflag:s29] =	ssyncset.done $0x0  }
0x140: {  	s9 =	rddreg [dreg:$0x4];
	[sflag:s29] =	ssyncadd.s32 $0xFFFF4000  }
0x141: {  	[hbm4b:s9+s2] =	stream.linear.scatter [tilespmem:s7], [sflag:$0x3], $0xC000, $0x38;
	[tilespmem:$0x18100] =	vst v63  }
0x142: {  	_ =	swait.ge [sflag:s30], $0xC000  }
0x143: {  	[sflag:s30] =	ssyncset.done $0x0  }
0x144: {  	s9 =	rddreg [dreg:$0x5];
	[sflag:s30] =	ssyncadd.s32 $0xFFFF4000  }
0x145: {  	[hbm4b:s9+s2] =	stream.linear.scatter [tilespmem:s8], [sflag:$0x4], $0xC000, $0x38;
	[tilespmem:$0x18100] =	vst v63  }
0x146: {  	p0 =	sne.s32 s5, $0x1;
	_ =	swait.ge [sflag:s31], $0xC000  }
.Ltmp0:
0x147: {  	[sflag:s31] =	ssyncset.done $0x0;
	(pc) =	sbr.rel @p0 .LBB2_1-.Ltmp0, $4  }
0x148: {  	[sflag:s31] =	ssyncadd.s32 $0xFFFF4000  }
0x149: {  	_ =	swait.ge [sflag:s1], $0xC000  }
0x14a: {  	[sflag:s1] =	ssyncset.done $0x0  }
0x14b: {  	s5 =	sadd.s32 $0xFFFFFFFF, s5;
	[sflag:s1] =	ssyncadd.s32 $0xFFFF4000  }
0x14c: {  	_ =	sfence.sel $0x180000  }
0x14d: {  	[bflag:$0x0] =	sbarrier.arrive $0xFFFF  }
0x14e: {  	_ =	strace $0x9000004A  }
0x14f: {  	s0 =	stileid.u32;
	[bflag:$0x2] =	sbarrier.arrive $0xFFFF  }
0x150: {  	p0 =	sne.s32 s0, $0x0;
	s0 =	rddreg [dreg:$0x2]  }
0x151: {  	s0 =	sadd.s32 @!p0 $0x100000, s0  }
0x152: {  	[sflag:s0] =	ssyncadd.tile.s32 @!p0 $0x1;
	_ =	shalt  }
.Lfunc_end2:
_tile_overlayer_lowered:
.L_overlay_start_2:
0x153: {  	(tag) =	ssettag $0x2  }
0x154: {  	s0 =	rddreg [dreg:$0x0];
	s2 =	stileid.u32  }
0x155: {  	s1 =	rddreg [dreg:$0x1];
	p0 =	sne.s32 s2, $0x0  }
0x156: {  	s3 =	rddreg [dreg:$0x2];
	[bflag:$0x3] =	sbarrier.arrive $0xFFFF;
	s2 =	simm.s32 @!p0 $0x1C05  }
0x157: {  	[timem:s3], [sflag:s2] =	dma.local @!p0 [hbm:s0], s1  }
0x158: {  	s0 =	simm.s32 @!p0 $0x5  }
0x159: {  	_ =	swait.ge @!p0 [sflag:s0], s1  }
0x15a: {  	s1 =	ssub.s32 @!p0 $0x0, s1;
	[sflag:s0] =	ssyncset.done @!p0 $0x0  }
0x15b: {  	[sflag:s0] =	ssyncadd.s32 @!p0 s1  }
0x15c: {  	[bflag:$0x3] =	sbarrier.arrive $0xFFFF  }
0x15d: {  	_ =	shalt  }

// kernel: kernel.7.cloned.1.call-start
scs
__scs_entry_jumppad:
0x0: {  	(pc) =	sbr.rel $0x88, $3  }
0x1: {  	(tag) =	ssettag $0x0;
	lr =	simm.s32 $0x1  }
0x2: {  	[smem:$0x3F9B] =	sst lr;
	_ =	strace $0xD0000000  }
0x3: {  	_ = 	snop  }
0x4: {  	_ = 	snop  }
0x5: {  	_ = 	snop  }
0x6: {  	_ = 	snop  }
0x7: {  	_ = 	snop  }
__scs_overlays_trampoline_lowered:
0x8: {  	[smem:$0x3FAA] =	sst s0  }
0x9: {  	[smem:$0x3FAB] =	sst s1  }
0xa: {  	[smem:$0x3FAC] =	sst s2  }
0xb: {  	[smem:$0x3FAD] =	sst s3  }
0xc: {  	[smem:$0x3FAE] =	sst s4  }
0xd: {  	[smem:$0x3FAF] =	sst s5  }
0xe: {  	[smem:$0x3FB0] =	sst s6  }
0xf: {  	[smem:$0x3FB1] =	sst s7  }
0x10: {  	[smem:$0x3FB2] =	sst s8  }
0x11: {  	[smem:$0x3FB3] =	sst s9;
	s0 =	simm.s32 @!p0 $0x0  }
0x12: {  	s1 =	sld [smem:$0x3F99];
	s0 =	simm.s32 @p0 $0x1  }
0x13: {  	[smem:$0x3FB4] =	sst s0;
	s0 =	simm.s32 @!p1 $0x0  }
0x14: {  	s2 =	sld [smem:$0x3F98];
	s0 =	simm.s32 @p1 $0x1  }
0x15: {  	[smem:$0x3FB5] =	sst s0;
	s0 =	simm.s32 @!p2 $0x0  }
0x16: {  	s3 =	sld [smem:$0x3FDB];
	s0 =	simm.s32 @p2 $0x1  }
0x17: {  	s4 =	simm.s32 $0x1BF5;
	[smem:$0x3FB7] =	sst s0  }
0x18: {  	s0 =	sld [smem:$0x3F9A];
	_ =	swait.ge [sflag:s4], $0x0  }
0x19: {  	s7 =	sld [smem:$0x3F9B]  }
0x1a: {  	s8 =	sadd.s32 $0xFFFFE003, lr  }
0x1b: {  	s9 =	sadd.s32 $0xFFFFFEF7, lr;
	s5 =	simm.s32 $0xFFFFFFFF;
	p2 =	slt.u32 s8, $0xFFFFF086  }
0x1c: {  	p1 =	slt.u32 s9, $0xF7A;
	s5 =	simm.s32 @!p2 $0x0  }
0x1d: {  	s5 =	simm.s32 @p1 $0x1;
	p0 =	seq.s32 s7, s2  }
0x1e: {  	s7 =	smul.u32 @!p0 $0xF7A, s2;
	p2 =	seq.s32 @!p0 s5, $0x0  }
0x1f: {  	s9 =	smul.u32 $0xF7A, s1;
	s8 =	simm.s32 @!p0 $0x1BF5;
	p2 =	por !p2, p0  }
0x20: {  	[sflag:s8] =	ssyncset.s32 @!p0 $0xFFFFF086;
	s6 =	sadd.s32 @!p0 s3, s7;
	s7 =	simm.s32 @!p0 $0x108  }
0x21: {  	s3 =	sadd.s32 s3, s9;
	s6 =	sadd.s32 @!p0 $0x88, s6;
	s7 =	simm.s32 @p2 $0x1082  }
0x22: {  	[simem:s7], [sflag:s8] =	dma.local @!p0 [hbm:s6], $0xF7A  }
0x23: {  	s9 =	sor.u32 $0xD0000000, s2;
	s6 =	simm.s32 $0x108;
	_ =	swait.ge @!p0 [sflag:s8], $0x0  }
0x24: {  	s3 =	sadd.s32 $0x88, s3;
	s6 =	simm.s32 @!p1 $0x1082;
	[sflag:s4] =	ssyncset.s32 $0xFFFFF086  }
0x25: {  	[simem:s6], [sflag:s4] =	dma.local [hbm:s3], $0xF7A  }
0x26: {  	[smem:$0x3F9B] =	sst s1;
	(tag) =	ssettag s2;
	_ =	strace s9  }
0x27: {  	s1 =	sld [smem:$0x3FAB]  }
0x28: {  	s2 =	sld [smem:$0x3FAC]  }
0x29: {  	s4 =	sld [smem:$0x3FAE]  }
0x2a: {  	p0 =	seq.s32 s5, $0x0;
	s5 =	sld [smem:$0x3FAF]  }
0x2b: {  	s6 =	sld [smem:$0x3FB0]  }
0x2c: {  	s7 =	sld [smem:$0x3FB1]  }
0x2d: {  	s3 =	simm.s32 $0x108;
	s8 =	sld [smem:$0x3FB2]  }
0x2e: {  	s3 =	simm.s32 @!p0 $0x1082;
	s9 =	sld [smem:$0x3FB3]  }
0x2f: {  	lr =	sadd.s32 s0, s3;
	s0 =	sld [smem:$0x3FAA]  }
0x30: {  	s3 =	sld [smem:$0x3FAD]  }
0x31: {  	[smem:$0x3FB6] =	sst s10  }
0x32: {  	s10 =	sld [smem:$0x3FB4];
	_ =	sdelay $0x3  }
0x33: {  	p0 =	seq.s32 s10, $0x1;
	s10 =	sld [smem:$0x3FB6];
	_ =	sdelay $0x3  }
0x34: {  	[smem:$0x3FB6] =	sst s10  }
0x35: {  	s10 =	sld [smem:$0x3FB5];
	_ =	sdelay $0x3  }
0x36: {  	p1 =	seq.s32 s10, $0x1;
	s10 =	sld [smem:$0x3FB6];
	_ =	sdelay $0x3  }
0x37: {  	[smem:$0x3FB6] =	sst s10  }
0x38: {  	s10 =	sld [smem:$0x3FB7]  }
0x39: {  	_ = 	snop;
	(pc) =	sbr.ind lr, $3  }
0x3a: {  	_ = 	snop  }
0x3b: {  	_ = 	snop  }
0x3c: {  	p2 =	seq.s32 s10, $0x1;
	s10 =	sld [smem:$0x3FB6]  }
0x3d: {  	_ =	shalt  }
0x3e: {  	_ =	shalt  }
0x3f: {  	_ =	shalt  }
0x40: {  	_ =	shalt  }
0x41: {  	_ =	shalt  }
0x42: {  	_ =	shalt  }
0x43: {  	_ =	shalt  }
0x44: {  	_ =	shalt  }
0x45: {  	_ =	shalt  }
0x46: {  	_ =	shalt  }
0x47: {  	_ =	shalt  }
0x48: {  	_ =	shalt  }
0x49: {  	_ =	shalt  }
0x4a: {  	_ =	shalt  }
0x4b: {  	_ =	shalt  }
0x4c: {  	_ =	shalt  }
0x4d: {  	_ =	shalt  }
0x4e: {  	_ =	shalt  }
0x4f: {  	_ =	shalt  }
0x50: {  	_ =	shalt  }
0x51: {  	_ =	shalt  }
0x52: {  	_ =	shalt  }
0x53: {  	_ =	shalt  }
0x54: {  	_ =	shalt  }
0x55: {  	_ =	shalt  }
0x56: {  	_ =	shalt  }
0x57: {  	_ =	shalt  }
0x58: {  	_ =	shalt  }
0x59: {  	_ =	shalt  }
0x5a: {  	_ =	shalt  }
0x5b: {  	_ =	shalt  }
0x5c: {  	_ =	shalt  }
0x5d: {  	_ =	shalt  }
0x5e: {  	_ =	shalt  }
0x5f: {  	_ =	shalt  }
0x60: {  	_ =	shalt  }
0x61: {  	_ =	shalt  }
0x62: {  	_ =	shalt  }
0x63: {  	_ =	shalt  }
0x64: {  	_ =	shalt  }
0x65: {  	_ =	shalt  }
0x66: {  	_ =	shalt  }
0x67: {  	_ =	shalt  }
0x68: {  	_ =	shalt  }
0x69: {  	_ =	shalt  }
0x6a: {  	_ =	shalt  }
0x6b: {  	_ =	shalt  }
0x6c: {  	_ =	shalt  }
0x6d: {  	_ =	shalt  }
0x6e: {  	_ =	shalt  }
0x6f: {  	_ =	shalt  }
0x70: {  	_ =	shalt  }
0x71: {  	_ =	shalt  }
0x72: {  	_ =	shalt  }
0x73: {  	_ =	shalt  }
0x74: {  	_ =	shalt  }
0x75: {  	_ =	shalt  }
0x76: {  	_ =	shalt  }
0x77: {  	_ =	shalt  }
0x78: {  	_ =	shalt  }
0x79: {  	_ =	shalt  }
0x7a: {  	_ =	shalt  }
0x7b: {  	_ =	shalt  }
0x7c: {  	_ =	shalt  }
0x7d: {  	_ =	shalt  }
0x7e: {  	_ =	shalt  }
0x7f: {  	_ =	shalt  }
0x80: {  	_ =	shalt  }
0x81: {  	_ =	shalt  }
0x82: {  	_ =	shalt  }
0x83: {  	_ =	shalt  }
0x84: {  	_ =	shalt  }
0x85: {  	_ =	shalt  }
0x86: {  	_ =	shalt  }
0x87: {  	_ =	shalt  }
.Lfunc_end0:
.L_simem_size_0:
called_computation_lowered:
.L_overlay_start_0:
0x88: {  	s2 =	sld [smem:$0x3FD9]  }
0x89: {  	s3 =	sld [smem:$0x3FFE];
	_ =	sdelay $0x1  }
0x8a: {  	s1 =	srdreg.scid  }
0x8b: {  	s0 =	sand.u32 $0x1, s1  }
0x8c: {  	s17 =	sshll.u32 s0, $0xA;
	s2 =	sadd.s32 s3, s2  }
0x8d: {  	s2 =	sadd.s32 s2, s17  }
0x8e: {  	[smem:$0x3FC2] =	sst s2  }
0x8f: {  	_ = 	snop  }
0x90: {  	s2 =	sld [smem:$0x3FD0];
	(tm) =	ssettm $0x1  }
0x91: {  	s18 =	sld [smem:$0x3FFB];
	_ =	sdelay $0x3  }
0x92: {  	_ =	strace s18  }
0x93: {  	s3 =	sld [smem:$0x3FFC];
	_ =	sdelay $0x3  }
0x94: {  	_ =	strace s3  }
0x95: {  	s3 =	sld [smem:$0x3FFD];
	_ =	sdelay $0x3  }
0x96: {  	_ =	strace s3  }
0x97: {  	_ =	strace $0x8FFFFFFF  }
0x98: {  	s19 =	sld [smem:$0x3FDB];
	_ =	sdelay $0x1  }
0x99: {  	s4 =	simm.s32 $_scs_section_size  }
0x9a: {  	s5 =	simm.s32 $_size__tile_overlayer_lowered;
	s6 =	simm.s32 $_tile_overlayer_lowered  }
0x9b: {  	s22 =	simm.s32 $0x1BFF;
	s21 =	sshll.u32 s6, $0x1;
	s3 =	sadd.s32 s4, s19  }
0x9c: {  	s7 =	simm.s32 $0x0;
	s20 =	sshll.u32 s5, $0x1;
	s5 =	sadd.s32 s21, s3  }
0x9d: {  	[timem:s7], [sflag:s22] =	dma.local [hbm:s5], s20  }
0x9e: {  	_ =	swait.ge [sflag:s22], s20  }
0x9f: {  	s4 =	ssub.s32 $0x0, s20;
	[sflag:s22] =	ssyncset.done $0x0  }
0xa0: {  	[sflag:s22] =	ssyncadd.s32 s4;
	_ =	sdelay $0x1  }
0xa1: {  	s23 =	simm.s32 $0x1B8B  }
0xa2: {  	_ =	swait.ge [sflag:s23], $0x1  }
0xa3: {  	[sflag:s23] =	ssyncset.done $0x0  }
0xa4: {  	s25 =	simm.s32 $0x1B8E;
	s24 =	sld [smem:$0x3FFE];
	[sflag:s23] =	ssyncadd.s32 $0xFFFFFFFF  }
0xa5: {  	s26 =	simm.s32 $execute0_lowered;
	[smem:$0x3FD2] =	sst s25  }
0xa6: {  	s5 =	sshll.u32 s26, $0x1;
	_ =	strace $0x80000046;
	[dreg:$0x1] =	wrdreg $0xFFFFFFFF  }
0xa7: {  	s28 =	simm.s32 $_size_execute0_lowered;
	s3 =	sadd.s32 s3, s5;
	[dreg:$0x0] =	wrdreg $0x0  }
0xa8: {  	s5 =	sshll.u32 s28, $0x1;
	[dreg:$0x2] =	wrdreg s3  }
0xa9: {  	[dreg:$0x3] =	wrdreg s5  }
0xaa: {  	[dreg:$0x4] =	wrdreg $0xC0  }
0xab: {  	_ =	task [dreg:s7], $0x5FFFF  }
0xac: {  	[dreg:$0x1] =	wrdreg $0xFFFFFFFF  }
0xad: {  	[dreg:$0x0] =	wrdreg $0x60  }
0xae: {  	[dreg:$0x2] =	wrdreg s2  }
0xaf: {  	[dreg:$0x3] =	wrdreg s24  }
0xb0: {  	[dreg:$0x4] =	wrdreg $0x4000  }
0xb1: {  	[dreg:$0x5] =	wrdreg $0x9  }
0xb2: {  	_ =	task.clear_ibuf [dreg:s7], $0x6FFFF;
	_ =	strace $0x90000046  }
0xb3: {  	s29 =	simm.s32 $0x9;
	_ =	strace $0x80000048  }
0xb4: {  	_ =	swait.ge [sflag:s29], $0x1  }
0xb5: {  	[sflag:s29] =	ssyncadd.s32 $0xFFFFFFFF  }
0xb6: {  	_ =	strace $0x90000048  }
0xb7: {  	_ =	sfence  }
0xb8: {  	s30 =	sld [smem:$0x0];
	_ =	sdelay $0x2  }
0xb9: {  	s31 =	sshll.u32 s1, $0xD;
	s1 =	sshrl.u32 s1, $0x2  }
0xba: {  	s3 =	sand.u32 $0x4000, s31;
	s1 =	sadd.s32 s1, s30  }
0xbb: {  	s0 =	sor.u32 s3, s0;
	s1 =	sshll.u32 s1, $0x11  }
0xbc: {  	s0 =	sor.u32 s1, s0  }
0xbd: {  	s0 =	sadd.s32 $0x8F2B, s0  }
0xbe: {  	[sflag:s0] =	ssyncadd.remote.s32 $0x1  }
0xbf: {  	_ =	sfence.sel $0xFFFF  }
0xc0: {  	[dreg:$0x0] =	wrdreg $0xFFFFFFFF;
	(pc) =	sbr.abs _section_cstart, $3  }
0xc1: {  	[dreg:$0x1] =	wrdreg $0xFFFFFFFF  }
0xc2: {  	_ =	task.clear_ibuf [dreg:s7], $0x2FFFF;
	_ =	strace $0x9FFFFFFF  }
0xc3: {  	(tm) =	ssettm $0x7FFFFFFF  }
tec
execute0_lowered:
.L_overlay_start_1:
0x0: {  	(tag) =	ssettag $0x1  }
0x1: {  	s1 =	srdreg.scid  }
0x2: {  	s0 =	stileid.u32;
	s4 =	rddreg [dreg:$0x0]  }
0x3: {  	s3 =	simm.s32 $0x0;
	s6 =	sand.u32 $0x1, s1;
	s1 =	rddreg [dreg:$0x1]  }
0x4: {  	s2 =	sshll.u32 s0, $0x1;
	[smem:$0x7FF] =	sst s3  }
0x5: {  	s13 =	simm.s32 $0x100;
	s5 =	sor.u32 s6, s2;
	s2 =	rddreg [dreg:$0x2]  }
0x6: {  	s15 =	simm.s32 $0x300;
	_ =	strace $0x80000047;
	[dreg:$0xa] =	wrdreg s13  }
0x7: {  	s16 =	simm.s32 $0x380;
	[dreg:$0xc] =	wrdreg s15  }
0x8: {  	s17 =	simm.s32 $0x200;
	[dreg:$0xd] =	wrdreg s16  }
0x9: {  	s18 =	simm.s32 $0xC08;
	[dreg:$0xe] =	wrdreg s17  }
0xa: {  	s19 =	simm.s32 $0x1008;
	[dreg:$0xf] =	wrdreg s18  }
0xb: {  	s20 =	simm.s32 $0x1808;
	[dreg:$0x10] =	wrdreg s19  }
0xc: {  	s21 =	simm.s32 $0x1C08;
	[dreg:$0x11] =	wrdreg s20  }
0xd: {  	s22 =	simm.s32 $0x2408;
	[dreg:$0x12] =	wrdreg s21  }
0xe: {  	s23 =	simm.s32 $0x2808;
	[dreg:$0x13] =	wrdreg s22  }
0xf: {  	s24 =	simm.s32 $0x3008;
	[dreg:$0x14] =	wrdreg s23  }
0x10: {  	s25 =	simm.s32 $0x3408;
	[dreg:$0x15] =	wrdreg s24  }
0x11: {  	s11 =	sshll.u32 s0, $0x6;
	s8 =	sadd.s32 $0xC00, s1;
	[dreg:$0x16] =	wrdreg s25  }
0x12: {  	s12 =	sor.u32 $0x1C09, s11;
	[dreg:$0x4] =	wrdreg s8  }
0x13: {  	s11 =	simm.s32 $0x6008;
	[dreg:$0x8] =	wrdreg s12  }
0x14: {  	s13 =	simm.s32 $0x6C08;
	[dreg:$0x1d] =	wrdreg s11  }
0x15: {  	s15 =	simm.s32 $0x7808;
	[dreg:$0x1f] =	wrdreg s13  }
0x16: {  	s16 =	simm.s32 $0x7C08;
	[smem:$0x7DE] =	sst s15  }
0x17: {  	s17 =	simm.s32 $0x8408;
	[smem:$0x7DF] =	sst s16  }
0x18: {  	s18 =	simm.s32 $0x8808;
	[smem:$0x7E0] =	sst s17  }
0x19: {  	s19 =	simm.s32 $0x9008;
	[smem:$0x7E1] =	sst s18  }
0x1a: {  	s20 =	simm.s32 $0x9408;
	[smem:$0x7E2] =	sst s19  }
0x1b: {  	s7 =	simm.s32 $0x1;
	s21 =	simm.s32 $0x9C08;
	[smem:$0x7E3] =	sst s20  }
0x1c: {  	s28 =	simm.s32 $0x17808;
	s22 =	simm.s32 $0xA008;
	[smem:$0x7E4] =	sst s21  }
0x1d: {  	s29 =	simm.s32 $0x18008;
	s23 =	simm.s32 $0xA808;
	[smem:$0x7E5] =	sst s22  }
0x1e: {  	s30 =	simm.s32 $0x4;
	s24 =	simm.s32 $0xAC08;
	[smem:$0x7E6] =	sst s23  }
0x1f: {  	s31 =	simm.s32 $0x5;
	s25 =	simm.s32 $0xB408;
	[smem:$0x7E7] =	sst s24  }
0x20: {  	p1 =	seq.s32 s6, $0x1;
	s14 =	sshrl.u32 s2, $0x3;
	[smem:$0x7E8] =	sst s25  }
0x21: {  	s10 =	sshll.u32 s6, $0x8;
	s12 =	simm.s32 $0x6408;
	[dreg:$0xb] =	wrdreg s14  }
0x22: {  	s6 =	ssub.s32 $0x2, s6;
	s11 =	simm.s32 $0xE408;
	[dreg:$0x1e] =	wrdreg s12  }
0x23: {  	p0 =	seq.s32 s5, $0x0;
	s13 =	simm.s32 $0xF008;
	[smem:$0x7EF] =	sst s11  }
0x24: {  	s26 =	smul.u32 $0x18000, s5;
	s16 =	simm.s32 $0xFC08;
	[smem:$0x7F1] =	sst s13  }
0x25: {  	s9 =	smul.u32 $0x3000, s5;
	s17 =	simm.s32 $0x10008;
	[smem:$0x7F3] =	sst s16  }
0x26: {  	s5 =	sshll.u32 s5, $0x5;
	s18 =	simm.s32 $0x10808;
	[smem:$0x7F4] =	sst s17  }
0x27: {  	s15 =	sshrl.u32 s6, $0x1;
	s19 =	simm.s32 $0x10C08;
	[smem:$0x7F5] =	sst s18  }
0x28: {  	s20 =	simm.s32 $0x11408;
	s21 =	simm.s32 $0x11808;
	[smem:$0x7F6] =	sst s19  }
0x29: {  	s22 =	simm.s32 $0x12008;
	s23 =	simm.s32 $0x12408;
	[smem:$0x7F7] =	sst s20  }
0x2a: {  	s24 =	simm.s32 $0x12C08;
	s25 =	simm.s32 $0x13008;
	[smem:$0x7F8] =	sst s21  }
0x2b: {  	p0 =	por !p0, !p1;
	s5 =	sadd.s32 s5, s1;
	[smem:$0x7F9] =	sst s22  }
0x2c: {  	s14 =	simm.s32 $0x7008;
	s12 =	simm.s32 $0xE808;
	[smem:$0x7FA] =	sst s23  }
0x2d: {  	s11 =	simm.s32 $0x9;
	s13 =	simm.s32 $0x80;
	[smem:$0x7FB] =	sst s24  }
0x2e: {  	[smem:$0x7FC] =	sst s25;
	s16 =	simm.s32 $0x3;
	s21 =	simm.s32 $0x15408  }
0x2f: {  	s22 =	simm.s32 $0x15C08;
	s23 =	simm.s32 $0x16008;
	[smem:$0x7DD] =	sst s14  }
0x30: {  	s24 =	simm.s32 $0x16808;
	s9 =	sadd.s32 s4, s9;
	[smem:$0x7F0] =	sst s12  }
0x31: {  	s25 =	simm.s32 $0x16C08;
	s5 =	sadd.s32 $0x120E00, s5;
	[dreg:$0x5] =	wrdreg s9  }
0x32: {  	s8 =	sshrl.u32 s26, $0x3;
	s26 =	simm.s32 $0x3C08;
	[dreg:$0x9] =	wrdreg s5  }
0x33: {  	p0 =	por !p0, !p0;
	s14 =	simm.s32 $0xF408;
	[dreg:$0x17] =	wrdreg s26  }
0x34: {  	s12 =	simm.s32 $0x7;
	s9 =	simm.s32 $0x5408;
	[smem:$0x7F2] =	sst s14  }
0x35: {  	s4 =	sadd.s32 s4, s8;
	s26 =	simm.s32 $0xB808;
	[dreg:$0x1b] =	wrdreg s9  }
0x36: {  	s7 =	simm.s32 @!p0 $0x0;
	s8 =	sadd.s32 $0x1800, s4;
	[smem:$0x7E9] =	sst s26  }
0x37: {  	s7 =	ssub.s32 s0, s7;
	s0 =	simm.s32 $0x4008;
	[dreg:$0x6] =	wrdreg s8  }
0x38: {  	s5 =	sadd.s32 $0xE00, s1;
	s9 =	simm.s32 $0xD808;
	[dreg:$0x18] =	wrdreg s0  }
0x39: {  	s14 =	simm.s32 $0x8;
	s26 =	simm.s32 $0x13808;
	[smem:$0x7ED] =	sst s9  }
0x3a: {  	s7 =	sshll.u32 s7, $0x9;
	s8 =	simm.s32 $0x4C08;
	[smem:$0x7FD] =	sst s26  }
0x3b: {  	s0 =	simm.s32 $0xC008;
	s9 =	simm.s32 $0x408;
	[dreg:$0x1a] =	wrdreg s8  }
0x3c: {  	s7 =	sor.u32 s10, s7;
	s10 =	simm.s32 $0x5808;
	[smem:$0x7EA] =	sst s0  }
0x3d: {  	s26 =	simm.s32 $0x17408;
	s8 =	simm.s32 $0xD008;
	[dreg:$0x1c] =	wrdreg s10  }
0x3e: {  	s7 =	sshrl.u32 s7, $0x3;
	[smem:$0x7EC] =	sst s8;
	s10 =	simm.s32 $0xDC08  }
0x3f: {  	s8 =	ssub.s32 s6, s15;
	s6 =	simm.s32 $0x1;
	s4 =	sadd.s32 s1, s7  }
0x40: {  	s15 =	simm.s32 $0x2;
	[smem:$0x7EE] =	sst s10;
	s7 =	sadd.s32 $0x400, s4  }
0x41: {  	v2 =	vlaneseq.u32;
	s8 =	smax.u32 s8, $0x1;
	[dreg:$0x7] =	wrdreg s7;
	s7 =	simm.s32 $0x4808  }
0x42: {  	vm0 =	vmmov $0xffff;
	vm1 =	vmmov $0xff;
	v1 =	vshrl.u32 v2, $0x3;
	s10 =	simm.s32 $0xC408;
	[dreg:$0x19] =	wrdreg s7;
	s7 =	simm.s32 $0xCC08  }
0x43: {  	v0 =	vand.u32 $0x7, v2;
	v2 =	vor.u32 $0x8, v2;
	v1 =	vmul.u32 $0x8, v1;
	[smem:$0x7EB] =	sst s7;
	s7 =	sadd.s32 $0xF00, s1;
	s1 =	simm.s32 $0x6  }
.LBB2_1:
0x44: {  	s0 =	rddreg [dreg:$0x5]  }
0x45: {  	s17 =	rddreg [dreg:$0x6]  }
0x46: {  	s18 =	rddreg [dreg:$0x4]  }
0x47: {  	s19 =	rddreg [dreg:$0x8]  }
0x48: {  	[tilespmem:s9], [sflag:$0x2] =	stream.linear.gather [hbm4b:s0+s3], $0xC000, $0x38;
	[tilespmem:$0x18408] =	vst v63  }
0x49: {  	s20 =	rddreg [dreg:$0xb]  }
0x4a: {  	[tilespmem:s10], [sflag:$0x3] =	stream.linear.gather [hbm4b:s17+s3], $0xC000, $0x38;
	[tilespmem:$0x18408] =	vst v63  }
0x4b: {  	s0 =	rddreg [dreg:$0x7]  }
0x4c: {  	[tilespmem:s3], [sflag:$0x7] =	stream.linear.gather [hbm4b:s4+s3], $0x100, $0x38;
	[tilespmem:$0x18408] =	vst v63  }
0x4d: {  	s17 =	rddreg [dreg:$0xa]  }
0x4e: {  	[tilespmem:s17], [sflag:$0x8] =	stream.linear.gather [hbm4b:s0+s3], $0x100, $0x38;
	[tilespmem:$0x18408] =	vst v63  }
0x4f: {  	[spmem:s20], [sflag:s19] =	dma.local [hbm:s18], $0x10  }
0x50: {  	_ =	swait.ge [sflag:s11], $0x10  }
0x51: {  	[sflag:s11] =	ssyncset.done $0x0  }
0x52: {  	[sflag:s11] =	ssyncadd.s32 $0xFFFFFFF0  }
0x53: {  	_ =	swait.ge [sflag:s12], $0x100  }
0x54: {  	[sflag:s12] =	ssyncset.done $0x0  }
0x55: {  	s17 =	rddreg [dreg:$0xc];
	[sflag:s12] =	ssyncadd.s32 $0xFFFFFF00  }
0x56: {  	[tilespmem:s17], [sflag:$0x1] =	stream.indirect.gather [spmem:s2], $0x1, s3, s13, $0xb8;
	[tilespmem:$0x18408] =	vst v63  }
0x57: {  	s18 =	rddreg [dreg:$0xd]  }
0x58: {  	[tilespmem:s18], [sflag:$0x1] =	stream.indirect.gather [spmem:s2], $0x1, s13, s13, $0xb8;
	[tilespmem:$0x18408] =	vst v63  }
0x59: {  	_ =	swait.ge [sflag:s14], $0x100  }
0x5a: {  	[sflag:s14] =	ssyncset.done $0x0  }
0x5b: {  	[sflag:s14] =	ssyncadd.s32 $0xFFFFFF00  }
0x5c: {  	_ =	swait.ge [sflag:s6], $0x80  }
0x5d: {  	[sflag:s6] =	ssyncset.done $0x0  }
0x5e: {  	[sflag:s6] =	ssyncadd.s32 $0xFFFFFF80  }
0x5f: {  	_ =	swait.ge [sflag:s6], $0x80  }
0x60: {  	[sflag:s6] =	ssyncset.done $0x0  }
0x61: {  	[sflag:s6] =	ssyncadd.s32 $0xFFFFFF80  }
0x62: {  	v3 =	vld [tilespmem:$0x300]  }
0x63: {  	v4 =	vld [tilespmem:$0x100]  }
0x64: {  	v5 =	vld [tilespmem:$0x310]  }
0x65: {  	v6 =	vld [tilespmem:$0x110]  }
0x66: {  	v7 =	vld [tilespmem:$0x320]  }
0x67: {  	v8 =	vld [tilespmem:$0x120]  }
0x68: {  	v9 =	vld [tilespmem:$0x330]  }
0x69: {  	v10 =	vld [tilespmem:$0x130]  }
0x6a: {  	v11 =	vld [tilespmem:$0x340]  }
0x6b: {  	v12 =	vld [tilespmem:$0x140]  }
0x6c: {  	v13 =	vld [tilespmem:$0x350]  }
0x6d: {  	v14 =	vld [tilespmem:$0x150]  }
0x6e: {  	v15 =	vld [tilespmem:$0x360]  }
0x6f: {  	v16 =	vld [tilespmem:$0x160]  }
0x70: {  	v17 =	vld [tilespmem:$0x370]  }
0x71: {  	v18 =	vld [tilespmem:$0x170]  }
0x72: {  	v19 =	vld [tilespmem:$0x380]  }
0x73: {  	v20 =	vld [tilespmem:$0x180]  }
0x74: {  	v21 =	vld [tilespmem:$0x390]  }
0x75: {  	v22 =	vld [tilespmem:$0x190]  }
0x76: {  	v23 =	vld [tilespmem:$0x3A0]  }
0x77: {  	v37 =	vld [tilespmem:$0x1A0];
	v3 =	vadd.s32 v3, v4  }
0x78: {  	v38 =	vld [tilespmem:$0x3B0];
	[tilespmem:$0x200] =	vst v3;
	v3 =	vadd.s32 v5, v6  }
0x79: {  	v39 =	vld [tilespmem:$0x1B0];
	[tilespmem:$0x210] =	vst v3;
	v3 =	vadd.s32 v7, v8  }
0x7a: {  	v40 =	vld [tilespmem:$0x3C0];
	[tilespmem:$0x220] =	vst v3;
	v3 =	vadd.s32 v9, v10  }
0x7b: {  	v41 =	vld [tilespmem:$0x1C0];
	[tilespmem:$0x230] =	vst v3;
	v3 =	vadd.s32 v11, v12  }
0x7c: {  	v42 =	vld [tilespmem:$0x3D0];
	[tilespmem:$0x240] =	vst v3;
	v3 =	vadd.s32 v13, v14  }
0x7d: {  	v43 =	vld [tilespmem:$0x1D0];
	[tilespmem:$0x250] =	vst v3;
	v3 =	vadd.s32 v15, v16  }
0x7e: {  	v44 =	vld [tilespmem:$0x3E0];
	[tilespmem:$0x260] =	vst v3;
	v3 =	vadd.s32 v17, v18  }
0x7f: {  	v45 =	vld [tilespmem:$0x1E0];
	[tilespmem:$0x270] =	vst v3;
	v3 =	vadd.s32 v19, v20  }
0x80: {  	v46 =	vld [tilespmem:$0x3F0];
	[tilespmem:$0x280] =	vst v3;
	v3 =	vadd.s32 v21, v22  }
0x81: {  	v47 =	vld [tilespmem:$0x1F0];
	[tilespmem:$0x290] =	vst v3;
	v3 =	vadd.s32 v23, v37  }
0x82: {  	[tilespmem:$0x2A0] =	vst v3;
	v3 =	vadd.s32 v38, v39  }
0x83: {  	[tilespmem:$0x2B0] =	vst v3;
	v3 =	vadd.s32 v40, v41  }
0x84: {  	[tilespmem:$0x2C0] =	vst v3;
	v3 =	vadd.s32 v42, v43  }
0x85: {  	[tilespmem:$0x2D0] =	vst v3;
	v3 =	vadd.s32 v44, v45  }
0x86: {  	s19 =	rddreg [dreg:$0x9];
	[tilespmem:$0x2E0] =	vst v3;
	v3 =	vadd.s32 v46, v47  }
0x87: {  	s20 =	rddreg [dreg:$0xe];
	[tilespmem:$0x2F0] =	vst v3  }
0x88: {  	[hbm4b:s19+s3] =	stream.linear.scatter [tilespmem:s20], [sflag:$0x6], $0x100, $0x38;
	[tilespmem:$0x18408] =	vst v63  }
0x89: {  	_ =	swait.ge [sflag:s15], $0xC000  }
0x8a: {  	[sflag:s15] =	ssyncset.done $0x0  }
0x8b: {  	[sflag:s15] =	ssyncadd.s32 $0xFFFF4000  }
0x8c: {  	v3 =	vld [tilespmem:$0x200];
	_ =	sdelay $0x4  }
0x8d: {  	v48 =	vshrl.u32 v3, $0x3  }
0x8e: {  	v4 =	vmul.u32 $0x18, v48  }
0x8f: {  	v3 =	vand.u32 $0x7, v3  }
0x90: {  	v3 =	vor.u32 v3, v4  }
0x91: {  	v4 =	vperm.xlane v3, v0;
	_ =	sdelay $0x1  }
0x92: {  	v4 =	vadd.s32 v1, v4;
	_ =	sdelay $0x1  }
0x93: {  	v3 =	vperm.xlane v3, v2;
	_ =	sdelay $0x1  }
0x94: {  	v3 =	vadd.s32 v1, v3  }
0x95: {  	[hbm4b:s5+s3] =	stream.indirect_vreg.scatter [tilespmem:s9], [sflag:$0x4], $0x80, v4, vm0, $0xb8;
	[tilespmem:$0x18408] =	vst v63  }
0x96: {  	s18 =	rddreg [dreg:$0xf]  }
0x97: {  	[hbm4b:s7+s3] =	stream.indirect_vreg.scatter [tilespmem:s18], [sflag:$0x4], $0x80, v4, vm1, $0xb8;
	[tilespmem:$0x18408] =	vst v63  }
0x98: {  	s19 =	rddreg [dreg:$0x10]  }
0x99: {  	[hbm4b:s5+s3] =	stream.indirect_vreg.scatter [tilespmem:s19], [sflag:$0x4], $0x80, v3, vm0, $0xb8;
	[tilespmem:$0x18408] =	vst v63  }
0x9a: {  	s20 =	rddreg [dreg:$0x11]  }
0x9b: {  	[hbm4b:s7+s3] =	stream.indirect_vreg.scatter [tilespmem:s20], [sflag:$0x4], $0x80, v3, vm1, $0xb8;
	[tilespmem:$0x18408] =	vst v63  }
0x9c: {  	v3 =	vld [tilespmem:$0x210];
	_ =	sdelay $0x4  }
0x9d: {  	v49 =	vshrl.u32 v3, $0x3  }
0x9e: {  	v4 =	vmul.u32 $0x18, v49  }
0x9f: {  	v3 =	vand.u32 $0x7, v3  }
0xa0: {  	v3 =	vor.u32 v3, v4  }
0xa1: {  	v4 =	vperm.xlane v3, v0;
	_ =	sdelay $0x1  }
0xa2: {  	v4 =	vadd.s32 v1, v4;
	_ =	sdelay $0x1  }
0xa3: {  	v3 =	vperm.xlane v3, v2;
	_ =	sdelay $0x1  }
0xa4: {  	s17 =	rddreg [dreg:$0x12];
	v3 =	vadd.s32 v1, v3  }
0xa5: {  	[hbm4b:s5+s3] =	stream.indirect_vreg.scatter [tilespmem:s17], [sflag:$0x4], $0x80, v4, vm0, $0xb8;
	[tilespmem:$0x18408] =	vst v63  }
0xa6: {  	s18 =	rddreg [dreg:$0x13]  }
0xa7: {  	[hbm4b:s7+s3] =	stream.indirect_vreg.scatter [tilespmem:s18], [sflag:$0x4], $0x80, v4, vm1, $0xb8;
	[tilespmem:$0x18408] =	vst v63  }
0xa8: {  	s19 =	rddreg [dreg:$0x14]  }
0xa9: {  	[hbm4b:s5+s3] =	stream.indirect_vreg.scatter [tilespmem:s19], [sflag:$0x4], $0x80, v3, vm0, $0xb8;
	[tilespmem:$0x18408] =	vst v63  }
0xaa: {  	s20 =	rddreg [dreg:$0x15]  }
0xab: {  	[hbm4b:s7+s3] =	stream.indirect_vreg.scatter [tilespmem:s20], [sflag:$0x4], $0x80, v3, vm1, $0xb8;
	[tilespmem:$0x18408] =	vst v63  }
0xac: {  	v3 =	vld [tilespmem:$0x220];
	_ =	sdelay $0x4  }
0xad: {  	v50 =	vshrl.u32 v3, $0x3  }
0xae: {  	v4 =	vmul.u32 $0x18, v50  }
0xaf: {  	v3 =	vand.u32 $0x7, v3  }
0xb0: {  	v3 =	vor.u32 v3, v4  }
0xb1: {  	v4 =	vperm.xlane v3, v0;
	_ =	sdelay $0x1  }
0xb2: {  	v4 =	vadd.s32 v1, v4;
	_ =	sdelay $0x1  }
0xb3: {  	v3 =	vperm.xlane v3, v2;
	_ =	sdelay $0x1  }
0xb4: {  	s17 =	rddreg [dreg:$0x16];
	v3 =	vadd.s32 v1, v3  }
0xb5: {  	[hbm4b:s5+s3] =	stream.indirect_vreg.scatter [tilespmem:s17], [sflag:$0x4], $0x80, v4, vm0, $0xb8;
	[tilespmem:$0x18408] =	vst v63  }
0xb6: {  	s18 =	rddreg [dreg:$0x17]  }
0xb7: {  	[hbm4b:s7+s3] =	stream.indirect_vreg.scatter [tilespmem:s18], [sflag:$0x4], $0x80, v4, vm1, $0xb8;
	[tilespmem:$0x18408] =	vst v63  }
0xb8: {  	s19 =	rddreg [dreg:$0x18]  }
0xb9: {  	[hbm4b:s5+s3] =	stream.indirect_vreg.scatter [tilespmem:s19], [sflag:$0x4], $0x80, v3, vm0, $0xb8;
	[tilespmem:$0x18408] =	vst v63  }
0xba: {  	s20 =	rddreg [dreg:$0x19]  }
0xbb: {  	[hbm4b:s7+s3] =	stream.indirect_vreg.scatter [tilespmem:s20], [sflag:$0x4], $0x80, v3, vm1, $0xb8;
	[tilespmem:$0x18408] =	vst v63  }
0xbc: {  	v3 =	vld [tilespmem:$0x230];
	_ =	sdelay $0x4  }
0xbd: {  	v51 =	vshrl.u32 v3, $0x3  }
0xbe: {  	v4 =	vmul.u32 $0x18, v51  }
0xbf: {  	v3 =	vand.u32 $0x7, v3  }
0xc0: {  	v3 =	vor.u32 v3, v4  }
0xc1: {  	v4 =	vperm.xlane v3, v0;
	_ =	sdelay $0x1  }
0xc2: {  	v4 =	vadd.s32 v1, v4;
	_ =	sdelay $0x1  }
0xc3: {  	v3 =	vperm.xlane v3, v2;
	_ =	sdelay $0x1  }
0xc4: {  	s17 =	rddreg [dreg:$0x1a];
	v3 =	vadd.s32 v1, v3  }
0xc5: {  	[hbm4b:s5+s3] =	stream.indirect_vreg.scatter [tilespmem:s17], [sflag:$0x4], $0x80, v4, vm0, $0xb8;
	[tilespmem:$0x18408] =	vst v63  }
0xc6: {  	s18 =	rddreg [dreg:$0x1b]  }
0xc7: {  	[hbm4b:s7+s3] =	stream.indirect_vreg.scatter [tilespmem:s18], [sflag:$0x4], $0x80, v4, vm1, $0xb8;
	[tilespmem:$0x18408] =	vst v63  }
0xc8: {  	s19 =	rddreg [dreg:$0x1c]  }
0xc9: {  	[hbm4b:s5+s3] =	stream.indirect_vreg.scatter [tilespmem:s19], [sflag:$0x4], $0x80, v3, vm0, $0xb8;
	[tilespmem:$0x18408] =	vst v63  }
0xca: {  	s20 =	rddreg [dreg:$0x1d]  }
0xcb: {  	[hbm4b:s7+s3] =	stream.indirect_vreg.scatter [tilespmem:s20], [sflag:$0x4], $0x80, v3, vm1, $0xb8;
	[tilespmem:$0x18408] =	vst v63  }
0xcc: {  	v3 =	vld [tilespmem:$0x240];
	_ =	sdelay $0x4  }
0xcd: {  	v52 =	vshrl.u32 v3, $0x3  }
0xce: {  	v4 =	vmul.u32 $0x18, v52  }
0xcf: {  	v3 =	vand.u32 $0x7, v3  }
0xd0: {  	v3 =	vor.u32 v3, v4  }
0xd1: {  	v4 =	vperm.xlane v3, v0;
	_ =	sdelay $0x1  }
0xd2: {  	v4 =	vadd.s32 v1, v4;
	_ =	sdelay $0x1  }
0xd3: {  	v3 =	vperm.xlane v3, v2  }
0xd4: {  	s17 =	rddreg [dreg:$0x1e]  }
0xd5: {  	s18 =	rddreg [dreg:$0x1f];
	v3 =	vadd.s32 v1, v3  }
0xd6: {  	[hbm4b:s5+s3] =	stream.indirect_vreg.scatter [tilespmem:s17], [sflag:$0x4], $0x80, v4, vm0, $0xb8;
	[tilespmem:$0x18408] =	vst v63  }
0xd7: {  	s19 =	sld [smem:$0x7DD]  }
0xd8: {  	[hbm4b:s7+s3] =	stream.indirect_vreg.scatter [tilespmem:s18], [sflag:$0x4], $0x80, v4, vm1, $0xb8;
	[tilespmem:$0x18408] =	vst v63  }
0xd9: {  	s20 =	sld [smem:$0x7DE]  }
0xda: {  	[hbm4b:s5+s3] =	stream.indirect_vreg.scatter [tilespmem:s19], [sflag:$0x4], $0x80, v3, vm0, $0xb8;
	[tilespmem:$0x18408] =	vst v63  }
0xdb: {  	_ = 	snop  }
0xdc: {  	[hbm4b:s7+s3] =	stream.indirect_vreg.scatter [tilespmem:s20], [sflag:$0x4], $0x80, v3, vm1, $0xb8;
	[tilespmem:$0x18408] =	vst v63  }
0xdd: {  	v3 =	vld [tilespmem:$0x250];
	_ =	sdelay $0x4  }
0xde: {  	v53 =	vshrl.u32 v3, $0x3  }
0xdf: {  	v4 =	vmul.u32 $0x18, v53  }
0xe0: {  	v3 =	vand.u32 $0x7, v3  }
0xe1: {  	v3 =	vor.u32 v3, v4  }
0xe2: {  	v4 =	vperm.xlane v3, v0;
	_ =	sdelay $0x1  }
0xe3: {  	v4 =	vadd.s32 v1, v4;
	_ =	sdelay $0x1  }
0xe4: {  	s17 =	sld [smem:$0x7DF];
	v3 =	vperm.xlane v3, v2;
	_ =	sdelay $0x1  }
0xe5: {  	s18 =	sld [smem:$0x7E0];
	v3 =	vadd.s32 v1, v3  }
0xe6: {  	[hbm4b:s5+s3] =	stream.indirect_vreg.scatter [tilespmem:s17], [sflag:$0x4], $0x80, v4, vm0, $0xb8;
	[tilespmem:$0x18408] =	vst v63  }
0xe7: {  	s19 =	sld [smem:$0x7E1]  }
0xe8: {  	[hbm4b:s7+s3] =	stream.indirect_vreg.scatter [tilespmem:s18], [sflag:$0x4], $0x80, v4, vm1, $0xb8;
	[tilespmem:$0x18408] =	vst v63  }
0xe9: {  	s20 =	sld [smem:$0x7E2]  }
0xea: {  	[hbm4b:s5+s3] =	stream.indirect_vreg.scatter [tilespmem:s19], [sflag:$0x4], $0x80, v3, vm0, $0xb8;
	[tilespmem:$0x18408] =	vst v63  }
0xeb: {  	_ = 	snop  }
0xec: {  	[hbm4b:s7+s3] =	stream.indirect_vreg.scatter [tilespmem:s20], [sflag:$0x4], $0x80, v3, vm1, $0xb8;
	[tilespmem:$0x18408] =	vst v63  }
0xed: {  	v3 =	vld [tilespmem:$0x260];
	_ =	sdelay $0x4  }
0xee: {  	v54 =	vshrl.u32 v3, $0x3  }
0xef: {  	v4 =	vmul.u32 $0x18, v54  }
0xf0: {  	v3 =	vand.u32 $0x7, v3  }
0xf1: {  	v3 =	vor.u32 v3, v4  }
0xf2: {  	v4 =	vperm.xlane v3, v0;
	_ =	sdelay $0x1  }
0xf3: {  	v4 =	vadd.s32 v1, v4;
	_ =	sdelay $0x1  }
0xf4: {  	s17 =	sld [smem:$0x7E3];
	v3 =	vperm.xlane v3, v2;
	_ =	sdelay $0x1  }
0xf5: {  	s18 =	sld [smem:$0x7E4];
	v3 =	vadd.s32 v1, v3  }
0xf6: {  	[hbm4b:s5+s3] =	stream.indirect_vreg.scatter [tilespmem:s17], [sflag:$0x4], $0x80, v4, vm0, $0xb8;
	[tilespmem:$0x18408] =	vst v63  }
0xf7: {  	s19 =	sld [smem:$0x7E5]  }
0xf8: {  	[hbm4b:s7+s3] =	stream.indirect_vreg.scatter [tilespmem:s18], [sflag:$0x4], $0x80, v4, vm1, $0xb8;
	[tilespmem:$0x18408] =	vst v63  }
0xf9: {  	s20 =	sld [smem:$0x7E6]  }
0xfa: {  	[hbm4b:s5+s3] =	stream.indirect_vreg.scatter [tilespmem:s19], [sflag:$0x4], $0x80, v3, vm0, $0xb8;
	[tilespmem:$0x18408] =	vst v63  }
0xfb: {  	_ = 	snop  }
0xfc: {  	[hbm4b:s7+s3] =	stream.indirect_vreg.scatter [tilespmem:s20], [sflag:$0x4], $0x80, v3, vm1, $0xb8;
	[tilespmem:$0x18408] =	vst v63  }
0xfd: {  	v3 =	vld [tilespmem:$0x270];
	_ =	sdelay $0x4  }
0xfe: {  	v55 =	vshrl.u32 v3, $0x3  }
0xff: {  	v4 =	vmul.u32 $0x18, v55  }
0x100: {  	v3 =	vand.u32 $0x7, v3  }
0x101: {  	v3 =	vor.u32 v3, v4  }
0x102: {  	v4 =	vperm.xlane v3, v0;
	_ =	sdelay $0x1  }
0x103: {  	v4 =	vadd.s32 v1, v4;
	_ =	sdelay $0x1  }
0x104: {  	s17 =	sld [smem:$0x7E7];
	v3 =	vperm.xlane v3, v2;
	_ =	sdelay $0x1  }
0x105: {  	s18 =	sld [smem:$0x7E8];
	v3 =	vadd.s32 v1, v3  }
0x106: {  	[hbm4b:s5+s3] =	stream.indirect_vreg.scatter [tilespmem:s17], [sflag:$0x4], $0x80, v4, vm0, $0xb8;
	[tilespmem:$0x18408] =	vst v63  }
0x107: {  	s19 =	sld [smem:$0x7E9]  }
0x108: {  	[hbm4b:s7+s3] =	stream.indirect_vreg.scatter [tilespmem:s18], [sflag:$0x4], $0x80, v4, vm1, $0xb8;
	[tilespmem:$0x18408] =	vst v63  }
0x109: {  	s20 =	sld [smem:$0x7EA]  }
0x10a: {  	[hbm4b:s5+s3] =	stream.indirect_vreg.scatter [tilespmem:s19], [sflag:$0x4], $0x80, v3, vm0, $0xb8;
	[tilespmem:$0x18408] =	vst v63  }
0x10b: {  	_ = 	snop  }
0x10c: {  	[hbm4b:s7+s3] =	stream.indirect_vreg.scatter [tilespmem:s20], [sflag:$0x4], $0x80, v3, vm1, $0xb8;
	[tilespmem:$0x18408] =	vst v63  }
0x10d: {  	_ =	swait.ge [sflag:s16], $0xC000  }
0x10e: {  	[sflag:s16] =	ssyncset.done $0x0  }
0x10f: {  	[sflag:s16] =	ssyncadd.s32 $0xFFFF4000  }
0x110: {  	v3 =	vld [tilespmem:$0x280];
	_ =	sdelay $0x4  }
0x111: {  	v56 =	vshrl.u32 v3, $0x3  }
0x112: {  	v4 =	vmul.u32 $0x18, v56  }
0x113: {  	v3 =	vand.u32 $0x7, v3  }
0x114: {  	v3 =	vor.u32 v3, v4  }
0x115: {  	v4 =	vperm.xlane v3, v0;
	_ =	sdelay $0x1  }
0x116: {  	v4 =	vadd.s32 v1, v4;
	_ =	sdelay $0x1  }
0x117: {  	v3 =	vperm.xlane v3, v2;
	_ =	sdelay $0x1  }
0x118: {  	s18 =	sld [smem:$0x7EB];
	v3 =	vadd.s32 v1, v3  }
0x119: {  	[hbm4b:s5+s3] =	stream.indirect_vreg.scatter [tilespmem:s10], [sflag:$0x5], $0x80, v4, vm0, $0xb8;
	[tilespmem:$0x18408] =	vst v63  }
0x11a: {  	s19 =	sld [smem:$0x7EC]  }
0x11b: {  	[hbm4b:s7+s3] =	stream.indirect_vreg.scatter [tilespmem:s18], [sflag:$0x5], $0x80, v4, vm1, $0xb8;
	[tilespmem:$0x18408] =	vst v63  }
0x11c: {  	s20 =	sld [smem:$0x7ED]  }
0x11d: {  	[hbm4b:s5+s3] =	stream.indirect_vreg.scatter [tilespmem:s19], [sflag:$0x5], $0x80, v3, vm0, $0xb8;
	[tilespmem:$0x18408] =	vst v63  }
0x11e: {  	_ = 	snop  }
0x11f: {  	[hbm4b:s7+s3] =	stream.indirect_vreg.scatter [tilespmem:s20], [sflag:$0x5], $0x80, v3, vm1, $0xb8;
	[tilespmem:$0x18408] =	vst v63  }
0x120: {  	v3 =	vld [tilespmem:$0x290];
	_ =	sdelay $0x4  }
0x121: {  	v57 =	vshrl.u32 v3, $0x3  }
0x122: {  	v4 =	vmul.u32 $0x18, v57  }
0x123: {  	v3 =	vand.u32 $0x7, v3  }
0x124: {  	v3 =	vor.u32 v3, v4  }
0x125: {  	v4 =	vperm.xlane v3, v0;
	_ =	sdelay $0x1  }
0x126: {  	v4 =	vadd.s32 v1, v4;
	_ =	sdelay $0x1  }
0x127: {  	s17 =	sld [smem:$0x7EE];
	v3 =	vperm.xlane v3, v2;
	_ =	sdelay $0x1  }
0x128: {  	s18 =	sld [smem:$0x7EF];
	v3 =	vadd.s32 v1, v3  }
0x129: {  	[hbm4b:s5+s3] =	stream.indirect_vreg.scatter [tilespmem:s17], [sflag:$0x5], $0x80, v4, vm0, $0xb8;
	[tilespmem:$0x18408] =	vst v63  }
0x12a: {  	s19 =	sld [smem:$0x7F0]  }
0x12b: {  	[hbm4b:s7+s3] =	stream.indirect_vreg.scatter [tilespmem:s18], [sflag:$0x5], $0x80, v4, vm1, $0xb8;
	[tilespmem:$0x18408] =	vst v63  }
0x12c: {  	s20 =	sld [smem:$0x7F1]  }
0x12d: {  	[hbm4b:s5+s3] =	stream.indirect_vreg.scatter [tilespmem:s19], [sflag:$0x5], $0x80, v3, vm0, $0xb8;
	[tilespmem:$0x18408] =	vst v63  }
0x12e: {  	_ = 	snop  }
0x12f: {  	[hbm4b:s7+s3] =	stream.indirect_vreg.scatter [tilespmem:s20], [sflag:$0x5], $0x80, v3, vm1, $0xb8;
	[tilespmem:$0x18408] =	vst v63  }
0x130: {  	v3 =	vld [tilespmem:$0x2A0];
	_ =	sdelay $0x4  }
0x131: {  	v58 =	vshrl.u32 v3, $0x3  }
0x132: {  	v4 =	vmul.u32 $0x18, v58  }
0x133: {  	v3 =	vand.u32 $0x7, v3  }
0x134: {  	v3 =	vor.u32 v3, v4  }
0x135: {  	v4 =	vperm.xlane v3, v0;
	_ =	sdelay $0x1  }
0x136: {  	v4 =	vadd.s32 v1, v4;
	_ =	sdelay $0x1  }
0x137: {  	s17 =	sld [smem:$0x7F2];
	v3 =	vperm.xlane v3, v2;
	_ =	sdelay $0x1  }
0x138: {  	s18 =	sld [smem:$0x7F3];
	v3 =	vadd.s32 v1, v3  }
0x139: {  	[hbm4b:s5+s3] =	stream.indirect_vreg.scatter [tilespmem:s17], [sflag:$0x5], $0x80, v4, vm0, $0xb8;
	[tilespmem:$0x18408] =	vst v63  }
0x13a: {  	s19 =	sld [smem:$0x7F4]  }
0x13b: {  	[hbm4b:s7+s3] =	stream.indirect_vreg.scatter [tilespmem:s18], [sflag:$0x5], $0x80, v4, vm1, $0xb8;
	[tilespmem:$0x18408] =	vst v63  }
0x13c: {  	s20 =	sld [smem:$0x7F5]  }
0x13d: {  	[hbm4b:s5+s3] =	stream.indirect_vreg.scatter [tilespmem:s19], [sflag:$0x5], $0x80, v3, vm0, $0xb8;
	[tilespmem:$0x18408] =	vst v63  }
0x13e: {  	_ = 	snop  }
0x13f: {  	[hbm4b:s7+s3] =	stream.indirect_vreg.scatter [tilespmem:s20], [sflag:$0x5], $0x80, v3, vm1, $0xb8;
	[tilespmem:$0x18408] =	vst v63  }
0x140: {  	v3 =	vld [tilespmem:$0x2B0];
	_ =	sdelay $0x4  }
0x141: {  	v59 =	vshrl.u32 v3, $0x3  }
0x142: {  	v4 =	vmul.u32 $0x18, v59  }
0x143: {  	v3 =	vand.u32 $0x7, v3  }
0x144: {  	v3 =	vor.u32 v3, v4  }
0x145: {  	v4 =	vperm.xlane v3, v0;
	_ =	sdelay $0x1  }
0x146: {  	v4 =	vadd.s32 v1, v4;
	_ =	sdelay $0x1  }
0x147: {  	s17 =	sld [smem:$0x7F6];
	v3 =	vperm.xlane v3, v2;
	_ =	sdelay $0x1  }
0x148: {  	s18 =	sld [smem:$0x7F7];
	v3 =	vadd.s32 v1, v3  }
0x149: {  	[hbm4b:s5+s3] =	stream.indirect_vreg.scatter [tilespmem:s17], [sflag:$0x5], $0x80, v4, vm0, $0xb8;
	[tilespmem:$0x18408] =	vst v63  }
0x14a: {  	s19 =	sld [smem:$0x7F8]  }
0x14b: {  	[hbm4b:s7+s3] =	stream.indirect_vreg.scatter [tilespmem:s18], [sflag:$0x5], $0x80, v4, vm1, $0xb8;
	[tilespmem:$0x18408] =	vst v63  }
0x14c: {  	s20 =	sld [smem:$0x7F9]  }
0x14d: {  	[hbm4b:s5+s3] =	stream.indirect_vreg.scatter [tilespmem:s19], [sflag:$0x5], $0x80, v3, vm0, $0xb8;
	[tilespmem:$0x18408] =	vst v63  }
0x14e: {  	_ = 	snop  }
0x14f: {  	[hbm4b:s7+s3] =	stream.indirect_vreg.scatter [tilespmem:s20], [sflag:$0x5], $0x80, v3, vm1, $0xb8;
	[tilespmem:$0x18408] =	vst v63  }
0x150: {  	v3 =	vld [tilespmem:$0x2C0];
	_ =	sdelay $0x4  }
0x151: {  	v60 =	vshrl.u32 v3, $0x3  }
0x152: {  	v4 =	vmul.u32 $0x18, v60  }
0x153: {  	v3 =	vand.u32 $0x7, v3  }
0x154: {  	v3 =	vor.u32 v3, v4  }
0x155: {  	v4 =	vperm.xlane v3, v0;
	_ =	sdelay $0x1  }
0x156: {  	v4 =	vadd.s32 v1, v4;
	_ =	sdelay $0x1  }
0x157: {  	s17 =	sld [smem:$0x7FA];
	v3 =	vperm.xlane v3, v2;
	_ =	sdelay $0x1  }
0x158: {  	s18 =	sld [smem:$0x7FB];
	v3 =	vadd.s32 v1, v3  }
0x159: {  	[hbm4b:s5+s3] =	stream.indirect_vreg.scatter [tilespmem:s17], [sflag:$0x5], $0x80, v4, vm0, $0xb8;
	[tilespmem:$0x18408] =	vst v63  }
0x15a: {  	s19 =	sld [smem:$0x7FC]  }
0x15b: {  	[hbm4b:s7+s3] =	stream.indirect_vreg.scatter [tilespmem:s18], [sflag:$0x5], $0x80, v4, vm1, $0xb8;
	[tilespmem:$0x18408] =	vst v63  }
0x15c: {  	s20 =	sld [smem:$0x7FD]  }
0x15d: {  	[hbm4b:s5+s3] =	stream.indirect_vreg.scatter [tilespmem:s19], [sflag:$0x5], $0x80, v3, vm0, $0xb8;
	[tilespmem:$0x18408] =	vst v63  }
0x15e: {  	_ = 	snop  }
0x15f: {  	[hbm4b:s7+s3] =	stream.indirect_vreg.scatter [tilespmem:s20], [sflag:$0x5], $0x80, v3, vm1, $0xb8;
	[tilespmem:$0x18408] =	vst v63  }
0x160: {  	v3 =	vld [tilespmem:$0x2D0];
	_ =	sdelay $0x4  }
0x161: {  	v61 =	vshrl.u32 v3, $0x3  }
0x162: {  	v4 =	vmul.u32 $0x18, v61  }
0x163: {  	v3 =	vand.u32 $0x7, v3  }
0x164: {  	v3 =	vor.u32 v3, v4  }
0x165: {  	v4 =	vperm.xlane v3, v0;
	_ =	sdelay $0x1  }
0x166: {  	v4 =	vadd.s32 v1, v4;
	_ =	sdelay $0x1  }
0x167: {  	v3 =	vperm.xlane v3, v2;
	_ =	sdelay $0x1  }
0x168: {  	s17 =	simm.s32 $0x13C08;
	v3 =	vadd.s32 v1, v3  }
0x169: {  	[hbm4b:s5+s3] =	stream.indirect_vreg.scatter [tilespmem:s17], [sflag:$0x5], $0x80, v4, vm0, $0xb8;
	[tilespmem:$0x18408] =	vst v63  }
0x16a: {  	s18 =	simm.s32 $0x14408  }
0x16b: {  	[hbm4b:s7+s3] =	stream.indirect_vreg.scatter [tilespmem:s18], [sflag:$0x5], $0x80, v4, vm1, $0xb8;
	[tilespmem:$0x18408] =	vst v63  }
0x16c: {  	s19 =	simm.s32 $0x14808  }
0x16d: {  	[hbm4b:s5+s3] =	stream.indirect_vreg.scatter [tilespmem:s19], [sflag:$0x5], $0x80, v3, vm0, $0xb8;
	[tilespmem:$0x18408] =	vst v63  }
0x16e: {  	s20 =	simm.s32 $0x15008  }
0x16f: {  	[hbm4b:s7+s3] =	stream.indirect_vreg.scatter [tilespmem:s20], [sflag:$0x5], $0x80, v3, vm1, $0xb8;
	[tilespmem:$0x18408] =	vst v63  }
0x170: {  	v3 =	vld [tilespmem:$0x2E0];
	_ =	sdelay $0x4  }
0x171: {  	v62 =	vshrl.u32 v3, $0x3  }
0x172: {  	v4 =	vmul.u32 $0x18, v62  }
0x173: {  	v3 =	vand.u32 $0x7, v3  }
0x174: {  	v3 =	vor.u32 v3, v4  }
0x175: {  	v4 =	vperm.xlane v3, v0;
	_ =	sdelay $0x1  }
0x176: {  	v4 =	vadd.s32 v1, v4;
	_ =	sdelay $0x1  }
0x177: {  	v3 =	vperm.xlane v3, v2;
	_ =	sdelay $0x1  }
0x178: {  	v3 =	vadd.s32 v1, v3  }
0x179: {  	[hbm4b:s5+s3] =	stream.indirect_vreg.scatter [tilespmem:s21], [sflag:$0x5], $0x80, v4, vm0, $0xb8;
	[tilespmem:$0x18408] =	vst v63  }
0x17a: {  	_ = 	snop  }
0x17b: {  	[hbm4b:s7+s3] =	stream.indirect_vreg.scatter [tilespmem:s22], [sflag:$0x5], $0x80, v4, vm1, $0xb8;
	[tilespmem:$0x18408] =	vst v63  }
0x17c: {  	_ = 	snop  }
0x17d: {  	[hbm4b:s5+s3] =	stream.indirect_vreg.scatter [tilespmem:s23], [sflag:$0x5], $0x80, v3, vm0, $0xb8;
	[tilespmem:$0x18408] =	vst v63  }
0x17e: {  	_ = 	snop  }
0x17f: {  	[hbm4b:s7+s3] =	stream.indirect_vreg.scatter [tilespmem:s24], [sflag:$0x5], $0x80, v3, vm1, $0xb8;
	[tilespmem:$0x18408] =	vst v63  }
0x180: {  	v3 =	vld [tilespmem:$0x2F0];
	_ =	sdelay $0x4  }
0x181: {  	v63 =	vshrl.u32 v3, $0x3  }
0x182: {  	v4 =	vmul.u32 $0x18, v63  }
0x183: {  	v3 =	vand.u32 $0x7, v3  }
0x184: {  	v3 =	vor.u32 v3, v4  }
0x185: {  	v4 =	vperm.xlane v3, v0;
	_ =	sdelay $0x1  }
0x186: {  	v4 =	vadd.s32 v1, v4;
	_ =	sdelay $0x1  }
0x187: {  	v3 =	vperm.xlane v3, v2;
	_ =	sdelay $0x1  }
0x188: {  	v3 =	vadd.s32 v1, v3  }
0x189: {  	[hbm4b:s5+s3] =	stream.indirect_vreg.scatter [tilespmem:s25], [sflag:$0x5], $0x80, v4, vm0, $0xb8;
	[tilespmem:$0x18408] =	vst v63  }
0x18a: {  	_ = 	snop  }
0x18b: {  	[hbm4b:s7+s3] =	stream.indirect_vreg.scatter [tilespmem:s26], [sflag:$0x5], $0x80, v4, vm1, $0xb8;
	[tilespmem:$0x18408] =	vst v63  }
0x18c: {  	_ = 	snop  }
0x18d: {  	[hbm4b:s5+s3] =	stream.indirect_vreg.scatter [tilespmem:s28], [sflag:$0x5], $0x80, v3, vm0, $0xb8;
	[tilespmem:$0x18408] =	vst v63  }
0x18e: {  	_ = 	snop  }
0x18f: {  	[hbm4b:s7+s3] =	stream.indirect_vreg.scatter [tilespmem:s29], [sflag:$0x5], $0x80, v3, vm1, $0xb8;
	[tilespmem:$0x18408] =	vst v63  }
0x190: {  	_ =	swait.ge [sflag:s30], $0xC000  }
0x191: {  	[sflag:s30] =	ssyncset.done $0x0  }
0x192: {  	[sflag:s30] =	ssyncadd.s32 $0xFFFF4000  }
0x193: {  	p0 =	sne.s32 s8, $0x1;
	_ =	swait.ge [sflag:s31], $0xC000  }
.Ltmp0:
0x194: {  	[sflag:s31] =	ssyncset.done $0x0;
	(pc) =	sbr.rel @p0 .LBB2_1-.Ltmp0, $4  }
0x195: {  	[sflag:s31] =	ssyncadd.s32 $0xFFFF4000  }
0x196: {  	_ =	swait.ge [sflag:s1], $0x100  }
0x197: {  	[sflag:s1] =	ssyncset.done $0x0  }
0x198: {  	s8 =	sadd.s32 $0xFFFFFFFF, s8;
	[sflag:s1] =	ssyncadd.s32 $0xFFFFFF00  }
0x199: {  	_ =	sfence.sel $0x180000  }
0x19a: {  	[bflag:$0x0] =	sbarrier.arrive $0xFFFF  }
0x19b: {  	_ =	strace $0x90000047  }
0x19c: {  	s0 =	stileid.u32;
	[bflag:$0x2] =	sbarrier.arrive $0xFFFF  }
0x19d: {  	p0 =	sne.s32 s0, $0x0;
	s0 =	rddreg [dreg:$0x3]  }
0x19e: {  	s0 =	sadd.s32 @!p0 $0x100000, s0  }
0x19f: {  	[sflag:s0] =	ssyncadd.tile.s32 @!p0 $0x1;
	_ =	shalt  }
.Lfunc_end2:
_tile_overlayer_lowered:
.L_overlay_start_2:
0x1a0: {  	(tag) =	ssettag $0x2  }
0x1a1: {  	s0 =	rddreg [dreg:$0x0];
	s2 =	stileid.u32  }
0x1a2: {  	s1 =	rddreg [dreg:$0x1];
	p0 =	sne.s32 s2, $0x0  }
0x1a3: {  	s3 =	rddreg [dreg:$0x2];
	[bflag:$0x3] =	sbarrier.arrive $0xFFFF;
	s2 =	simm.s32 @!p0 $0x1C09  }
0x1a4: {  	[timem:s3], [sflag:s2] =	dma.local @!p0 [hbm:s0], s1  }
0x1a5: {  	s0 =	simm.s32 @!p0 $0x9  }
0x1a6: {  	_ =	swait.ge @!p0 [sflag:s0], s1  }
0x1a7: {  	s1 =	ssub.s32 @!p0 $0x0, s1;
	[sflag:s0] =	ssyncset.done @!p0 $0x0  }
0x1a8: {  	[sflag:s0] =	ssyncadd.s32 @!p0 s1  }
0x1a9: {  	[bflag:$0x3] =	sbarrier.arrive $0xFFFF  }
0x1aa: {  	_ =	shalt  }

</sc_bundles>
